<compile_context>
chip_gen: v7x
topology: tpu7x:2x2x1
jax: 0.10.2.dev20260603
libtpu: 0.0.44.dev20260713+nightly
codegen_flags: <defaults>
</compile_context>

<pallas_src>
import functools

import jax
import jax.numpy as jnp
from jax import lax
from jax.experimental import pallas as pl
from jax.experimental.pallas import tpu as pltpu
from jax.experimental.pallas import tpu_sc as plsc

NUM_GROUPS = 8
NUM_CODES = 1024
GROUP_DIM = 32
COMMITMENT_COST = 0.25

TILE_N = 2048

_SC_INFO = plsc.get_sparse_core_info()
_NC, _NS = _SC_INFO.num_cores, _SC_INFO.num_subcores
_NW = _NC * _NS
_CHUNK = 1024


def _vq_tc_kernel(x_ref, xsq_ref, embt_ref, esq_ref, iotaf_ref,
                  idx_ref, fidx_ref, sse_ref):
    tn = x_ref.shape[0]
    msum = None
    idx_cols = []
    fidx_cols = []
    for g in range(NUM_GROUPS):
        xg = x_ref[:, g * GROUP_DIM:(g + 1) * GROUP_DIM]
        embt_g = embt_ref[g]
        dot2 = jax.lax.dot_general(
            xg, embt_g, (((1,), (0,)), ((), ())),
            preferred_element_type=jnp.float32)
        a = xsq_ref[:, g:g + 1] + esq_ref[g][None, :]
        dist = a - dot2
        mind = jnp.min(dist, axis=1)
        msum = mind if msum is None else msum + mind
        idx_f = jnp.min(jnp.where(dist == mind[:, None], iotaf_ref[0],
                                  jnp.float32(NUM_CODES)),
                        axis=1)
        idx = idx_f.astype(jnp.int32)
        idx_cols.append(idx)
        fidx_cols.append(idx + g * NUM_CODES)
    idx_ref[...] = jnp.stack(idx_cols, axis=1)
    fidx_ref[...] = jnp.stack(fidx_cols, axis=1)
    psum = jnp.sum(msum)

    @pl.when(pl.program_id(0) == 0)
    def _init():
        sse_ref[0, 0] = jnp.float32(0.0)

    sse_ref[0, 0] += psum


@functools.partial(
    pl.kernel,
    mesh=plsc.VectorSubcoreMesh(core_axis_name="c", subcore_axis_name="s"),
    compiler_params=pltpu.CompilerParams(use_tc_tiling_on_sc=False),
    out_type=jax.ShapeDtypeStruct((16384 * NUM_GROUPS, GROUP_DIM),
                                  jnp.float32),
    scratch_types=[
        pltpu.VMEM((_CHUNK,), jnp.int32),
        pltpu.VMEM((_CHUNK, GROUP_DIM), jnp.float32),
        pltpu.SemaphoreType.DMA,
    ],
)
def _sc_gather(table_hbm, fidx_hbm, out_hbm, idx_v, rows_v, sem):
    b_total = out_hbm.shape[0]
    b_per_w = b_total // _NW
    wid = lax.axis_index("s") * _NC + lax.axis_index("c")
    for c in range(b_per_w // _CHUNK):
        base = wid * b_per_w + c * _CHUNK
        pltpu.sync_copy(fidx_hbm.at[pl.ds(base, _CHUNK)], idx_v)
        pltpu.async_copy(table_hbm.at[idx_v], rows_v, sem).wait()
        pltpu.sync_copy(rows_v, out_hbm.at[pl.ds(base, _CHUNK)])


@jax.jit
def kernel(inputs, embedding):
    n = inputs.shape[0]
    x3 = inputs.reshape(n, NUM_GROUPS, GROUP_DIM)
    inputs_sq = jnp.sum(x3 ** 2, axis=2)
    embed_sq = jnp.sum(embedding ** 2, axis=2)
    emb_t = 2.0 * jnp.transpose(embedding, (0, 2, 1))

    grid = (n // TILE_N,)
    idx, fidx, sse = pl.pallas_call(
        _vq_tc_kernel,
        grid=grid,
        in_specs=[
            pl.BlockSpec((TILE_N, NUM_GROUPS * GROUP_DIM), lambda i: (i, 0)),
            pl.BlockSpec((TILE_N, NUM_GROUPS), lambda i: (i, 0)),
            pl.BlockSpec((NUM_GROUPS, GROUP_DIM, NUM_CODES),
                         lambda i: (0, 0, 0)),
            pl.BlockSpec((NUM_GROUPS, NUM_CODES), lambda i: (0, 0)),
            pl.BlockSpec((1, NUM_CODES), lambda i: (0, 0)),
        ],
        out_specs=[
            pl.BlockSpec((TILE_N, NUM_GROUPS), lambda i: (i, 0)),
            pl.BlockSpec((TILE_N, NUM_GROUPS), lambda i: (i, 0)),
            pl.BlockSpec((1, 1), lambda i: (0, 0),
                         memory_space=pltpu.SMEM),
        ],
        out_shape=[
            jax.ShapeDtypeStruct((n, NUM_GROUPS), jnp.int32),
            jax.ShapeDtypeStruct((n, NUM_GROUPS), jnp.int32),
            jax.ShapeDtypeStruct((1, 1), jnp.float32),
        ],
    )(inputs, inputs_sq, emb_t, embed_sq,
      jnp.arange(NUM_CODES, dtype=jnp.float32).reshape(1, NUM_CODES))

    table = embedding.reshape(NUM_GROUPS * NUM_CODES, GROUP_DIM)
    rows = _sc_gather(table, fidx.reshape(n * NUM_GROUPS))
    q = rows.reshape(n, NUM_GROUPS * GROUP_DIM)

    total = jnp.float32(n * NUM_GROUPS * GROUP_DIM)
    codebook_loss = sse[0, 0] / total
    commit_loss = codebook_loss
    vq_loss = codebook_loss + COMMITMENT_COST * commit_loss
    indices = idx.astype(jnp.int64)
    return (q, indices, vq_loss, codebook_loss, commit_loss)

# --- scband reference (transcript-rebuilt; emitter-appended) ---
"""Pipeline reference for scband-grouped-vector-quantizer-21586505629901 (READ-ONLY COPY).

The authoritative reference and input builder live on the scoring server;
editing this copy changes nothing except your own understanding.
"""

import jax, jax.numpy as jnp
import numpy as np

NUM_GROUPS = 8
NUM_CODES = 1024
GROUP_DIM = 32
COMMITMENT_COST = 0.25


def setup_inputs(seed: int = 0) -> dict:
    key = jax.random.key(seed)
    k1, k2 = jax.random.split(key)
    inputs = jax.random.normal(k1, (16384, NUM_GROUPS * GROUP_DIM), dtype=jnp.float32)
    embedding = jax.random.uniform(
        k2,
        (NUM_GROUPS, NUM_CODES, GROUP_DIM),
        minval=-1.0 / NUM_CODES,
        maxval=1.0 / NUM_CODES,
        dtype=jnp.float32,
    )
    return {"inputs": inputs, "embedding": embedding}


def reference(inputs, embedding):
    N = inputs.shape[0]
    x = inputs.reshape(N, NUM_GROUPS, GROUP_DIM)
    # ||e||^2 per (group, code)
    embed_sq = jnp.sum(embedding ** 2, axis=2)  # [G, C]
    # ||x||^2 per (token, group)
    inputs_sq = jnp.sum(x ** 2, axis=2, keepdims=True)  # [N, G, 1]
    # squared L2 distances: [N, G, C]
    distances = inputs_sq + embed_sq[None, :, :] - 2.0 * jnp.einsum('ngd,gcd->ngc', x, embedding)
    indices = jnp.argmin(distances, axis=2).astype(jnp.int64)  # [N, G]
    # gather per-group codes: embedding[g, indices[n, g], :]
    gathered = jnp.take_along_axis(embedding, indices.T[:, :, None], axis=1)  # [G, N, d]
    quantized = jnp.transpose(gathered, (1, 0, 2))  # [N, G, d]
    quantized_flat = quantized.reshape(inputs.shape)
    codebook_loss = jnp.mean((quantized_flat - jax.lax.stop_gradient(inputs)) ** 2)
    commit_loss = jnp.mean((inputs - jax.lax.stop_gradient(quantized_flat)) ** 2)
    vq_loss = codebook_loss + COMMITMENT_COST * commit_loss
    # straight-through estimator
    quantized_st = inputs + jax.lax.stop_gradient(quantized_flat - inputs)
    return (quantized_st, indices, vq_loss, codebook_loss, commit_loss)

if __name__ == "__main__":
    import jax
    _d = setup_inputs()
    print(jax.jit(kernel)(*tuple(_d.values())))

</pallas_src>

<mosaic_0001>
#map = affine_map<(d0, d1) -> (0, 0)>
#map1 = affine_map<(d0, d1) -> (0)>
module attributes {stable_mosaic.version = 14 : i64} {
  func.func @_sc_gather(%arg0: i32, %arg1: i32, %arg2: memref<8192x32xf32, #tpu.memory_space<hbm>>, %arg3: memref<131072xi32, #tpu.memory_space<hbm>>, %arg4: memref<131072x32xf32, #tpu.memory_space<hbm>>, %arg5: memref<1024xi32, #tpu.memory_space<vmem>>, %arg6: memref<1024x32xf32, #tpu.memory_space<vmem>>, %arg7: memref<!tpu.dma_semaphore, #tpu.memory_space<semaphore_mem>>) attributes {dimension_semantics = [#tpu.dimension_semantics<core_parallel>, #tpu.dimension_semantics<subcore_parallel>], iteration_bounds = array<i64: 2, 16>, scalar_prefetch = 0 : i64, scratch_operands = 3 : i64, tpu.core_type = #tpu.core_type<sc_vector_subcore>, window_params = [{transform_indices = #map}, {transform_indices = #map1}, {transform_indices = #map}]} {
    %mul3A = arith.constant 2 : i32
    %mul3A_0 = arith.muli %arg1, %mul3A : i32
    %add3A = arith.addi %mul3A_0, %arg0 : i32
    %mul3A_1 = arith.constant 4096 : i32
    %mul3A_2 = arith.muli %add3A, %mul3A_1 : i32
    %add3A_3 = arith.constant 0 : i32
    %add3A_4 = arith.addi %mul3A_2, %add3A_3 : i32
    "tpu.region"() ({
      %run_scoped3A = tpu.sem_alloc : memref<!tpu.dma_semaphore, #tpu.memory_space<semaphore_mem>>
      %dma_start3A_39 = tpu.memref_slice %arg3[%add3A_4] : memref<131072xi32, #tpu.memory_space<hbm>> -> memref<1024xi32, #tpu.memory_space<hbm>>
      %dma_start3A_40 = tpu.memref_slice %arg3[%add3A_4] : memref<131072xi32, #tpu.memory_space<hbm>> -> memref<1024xi32, #tpu.memory_space<hbm>>
      tpu.enqueue_dma source(%dma_start3A_40 : memref<1024xi32, #tpu.memory_space<hbm>>) target(%arg5 : memref<1024xi32, #tpu.memory_space<vmem>>) target_semaphore(%run_scoped3A : memref<!tpu.dma_semaphore, #tpu.memory_space<semaphore_mem>>)
      %dma_wait3A_41 = tpu.memref_slice %arg3[%add3A_4] : memref<131072xi32, #tpu.memory_space<hbm>> -> memref<1024xi32, #tpu.memory_space<hbm>>
      %dma_wait3A_42 = tpu.memref_slice %arg3[%add3A_4] : memref<131072xi32, #tpu.memory_space<hbm>> -> memref<1024xi32, #tpu.memory_space<hbm>>
      tpu.wait_dma2 semaphore(%run_scoped3A : memref<!tpu.dma_semaphore, #tpu.memory_space<semaphore_mem>>) src(%dma_wait3A_42 : memref<1024xi32, #tpu.memory_space<hbm>>) dst(%arg5 : memref<1024xi32, #tpu.memory_space<vmem>>)
      tpu.yield
    }) : () -> ()
    %dma_start3A = arith.constant 0 : i32
    %dma_start3A_5 = arith.constant 0 : i32
    %dma_start3A_6 = tpu.memref_slice %arg2[%dma_start3A, %dma_start3A_5] : memref<8192x32xf32, #tpu.memory_space<hbm>> -> memref<8192x32xf32, #tpu.memory_space<hbm>>
    tpu.enqueue_indirect_dma source(%dma_start3A_6 : memref<8192x32xf32, #tpu.memory_space<hbm>>) target(%arg6 : memref<1024x32xf32, #tpu.memory_space<vmem>>) offsets(%arg5 : memref<1024xi32, #tpu.memory_space<vmem>>) semaphore(%arg7 : memref<!tpu.dma_semaphore, #tpu.memory_space<semaphore_mem>>)
    %dma_wait3A = arith.constant 0 : i32
    %dma_wait3A_7 = arith.constant 0 : i32
    %dma_wait3A_8 = tpu.memref_slice %arg2[%dma_wait3A, %dma_wait3A_7] : memref<8192x32xf32, #tpu.memory_space<hbm>> -> memref<8192x32xf32, #tpu.memory_space<hbm>>
    tpu.wait_indirect_dma semaphore(%arg7 : memref<!tpu.dma_semaphore, #tpu.memory_space<semaphore_mem>>) src(%dma_wait3A_8 : memref<8192x32xf32, #tpu.memory_space<hbm>>) dst(%arg6 : memref<1024x32xf32, #tpu.memory_space<vmem>>)
    "tpu.region"() ({
      %run_scoped3A = tpu.sem_alloc : memref<!tpu.dma_semaphore, #tpu.memory_space<semaphore_mem>>
      %dma_start3A_39 = arith.constant 0 : i32
      %dma_start3A_40 = tpu.memref_slice %arg4[%add3A_4, %dma_start3A_39] : memref<131072x32xf32, #tpu.memory_space<hbm>> -> memref<1024x32xf32, #tpu.memory_space<hbm>>
      %dma_start3A_41 = arith.constant 0 : i32
      %dma_start3A_42 = tpu.memref_slice %arg4[%add3A_4, %dma_start3A_41] : memref<131072x32xf32, #tpu.memory_space<hbm>> -> memref<1024x32xf32, #tpu.memory_space<hbm>>
      tpu.enqueue_dma source(%arg6 : memref<1024x32xf32, #tpu.memory_space<vmem>>) target(%dma_start3A_42 : memref<1024x32xf32, #tpu.memory_space<hbm>>) target_semaphore(%run_scoped3A : memref<!tpu.dma_semaphore, #tpu.memory_space<semaphore_mem>>)
      %dma_wait3A_43 = arith.constant 0 : i32
      %dma_wait3A_44 = tpu.memref_slice %arg4[%add3A_4, %dma_wait3A_43] : memref<131072x32xf32, #tpu.memory_space<hbm>> -> memref<1024x32xf32, #tpu.memory_space<hbm>>
      %dma_wait3A_45 = arith.constant 0 : i32
      %dma_wait3A_46 = tpu.memref_slice %arg4[%add3A_4, %dma_wait3A_45] : memref<131072x32xf32, #tpu.memory_space<hbm>> -> memref<1024x32xf32, #tpu.memory_space<hbm>>
      tpu.wait_dma2 semaphore(%run_scoped3A : memref<!tpu.dma_semaphore, #tpu.memory_space<semaphore_mem>>) src(%arg6 : memref<1024x32xf32, #tpu.memory_space<vmem>>) dst(%dma_wait3A_46 : memref<1024x32xf32, #tpu.memory_space<hbm>>)
      tpu.yield
    }) : () -> ()
    %mul3A_9 = arith.constant 4096 : i32
    %mul3A_10 = arith.muli %add3A, %mul3A_9 : i32
    %add3A_11 = arith.constant 1024 : i32
    %add3A_12 = arith.addi %mul3A_10, %add3A_11 : i32
    "tpu.region"() ({
      %run_scoped3A = tpu.sem_alloc : memref<!tpu.dma_semaphore, #tpu.memory_space<semaphore_mem>>
      %dma_start3A_39 = tpu.memref_slice %arg3[%add3A_12] : memref<131072xi32, #tpu.memory_space<hbm>> -> memref<1024xi32, #tpu.memory_space<hbm>>
      %dma_start3A_40 = tpu.memref_slice %arg3[%add3A_12] : memref<131072xi32, #tpu.memory_space<hbm>> -> memref<1024xi32, #tpu.memory_space<hbm>>
      tpu.enqueue_dma source(%dma_start3A_40 : memref<1024xi32, #tpu.memory_space<hbm>>) target(%arg5 : memref<1024xi32, #tpu.memory_space<vmem>>) target_semaphore(%run_scoped3A : memref<!tpu.dma_semaphore, #tpu.memory_space<semaphore_mem>>)
      %dma_wait3A_41 = tpu.memref_slice %arg3[%add3A_12] : memref<131072xi32, #tpu.memory_space<hbm>> -> memref<1024xi32, #tpu.memory_space<hbm>>
      %dma_wait3A_42 = tpu.memref_slice %arg3[%add3A_12] : memref<131072xi32, #tpu.memory_space<hbm>> -> memref<1024xi32, #tpu.memory_space<hbm>>
      tpu.wait_dma2 semaphore(%run_scoped3A : memref<!tpu.dma_semaphore, #tpu.memory_space<semaphore_mem>>) src(%dma_wait3A_42 : memref<1024xi32, #tpu.memory_space<hbm>>) dst(%arg5 : memref<1024xi32, #tpu.memory_space<vmem>>)
      tpu.yield
    }) : () -> ()
    %dma_start3A_13 = arith.constant 0 : i32
    %dma_start3A_14 = arith.constant 0 : i32
    %dma_start3A_15 = tpu.memref_slice %arg2[%dma_start3A_13, %dma_start3A_14] : memref<8192x32xf32, #tpu.memory_space<hbm>> -> memref<8192x32xf32, #tpu.memory_space<hbm>>
    tpu.enqueue_indirect_dma source(%dma_start3A_15 : memref<8192x32xf32, #tpu.memory_space<hbm>>) target(%arg6 : memref<1024x32xf32, #tpu.memory_space<vmem>>) offsets(%arg5 : memref<1024xi32, #tpu.memory_space<vmem>>) semaphore(%arg7 : memref<!tpu.dma_semaphore, #tpu.memory_space<semaphore_mem>>)
    %dma_wait3A_16 = arith.constant 0 : i32
    %dma_wait3A_17 = arith.constant 0 : i32
    %dma_wait3A_18 = tpu.memref_slice %arg2[%dma_wait3A_16, %dma_wait3A_17] : memref<8192x32xf32, #tpu.memory_space<hbm>> -> memref<8192x32xf32, #tpu.memory_space<hbm>>
    tpu.wait_indirect_dma semaphore(%arg7 : memref<!tpu.dma_semaphore, #tpu.memory_space<semaphore_mem>>) src(%dma_wait3A_18 : memref<8192x32xf32, #tpu.memory_space<hbm>>) dst(%arg6 : memref<1024x32xf32, #tpu.memory_space<vmem>>)
    "tpu.region"() ({
      %run_scoped3A = tpu.sem_alloc : memref<!tpu.dma_semaphore, #tpu.memory_space<semaphore_mem>>
      %dma_start3A_39 = arith.constant 0 : i32
      %dma_start3A_40 = tpu.memref_slice %arg4[%add3A_12, %dma_start3A_39] : memref<131072x32xf32, #tpu.memory_space<hbm>> -> memref<1024x32xf32, #tpu.memory_space<hbm>>
      %dma_start3A_41 = arith.constant 0 : i32
      %dma_start3A_42 = tpu.memref_slice %arg4[%add3A_12, %dma_start3A_41] : memref<131072x32xf32, #tpu.memory_space<hbm>> -> memref<1024x32xf32, #tpu.memory_space<hbm>>
      tpu.enqueue_dma source(%arg6 : memref<1024x32xf32, #tpu.memory_space<vmem>>) target(%dma_start3A_42 : memref<1024x32xf32, #tpu.memory_space<hbm>>) target_semaphore(%run_scoped3A : memref<!tpu.dma_semaphore, #tpu.memory_space<semaphore_mem>>)
      %dma_wait3A_43 = arith.constant 0 : i32
      %dma_wait3A_44 = tpu.memref_slice %arg4[%add3A_12, %dma_wait3A_43] : memref<131072x32xf32, #tpu.memory_space<hbm>> -> memref<1024x32xf32, #tpu.memory_space<hbm>>
      %dma_wait3A_45 = arith.constant 0 : i32
      %dma_wait3A_46 = tpu.memref_slice %arg4[%add3A_12, %dma_wait3A_45] : memref<131072x32xf32, #tpu.memory_space<hbm>> -> memref<1024x32xf32, #tpu.memory_space<hbm>>
      tpu.wait_dma2 semaphore(%run_scoped3A : memref<!tpu.dma_semaphore, #tpu.memory_space<semaphore_mem>>) src(%arg6 : memref<1024x32xf32, #tpu.memory_space<vmem>>) dst(%dma_wait3A_46 : memref<1024x32xf32, #tpu.memory_space<hbm>>)
      tpu.yield
    }) : () -> ()
    %mul3A_19 = arith.constant 4096 : i32
    %mul3A_20 = arith.muli %add3A, %mul3A_19 : i32
    %add3A_21 = arith.constant 2048 : i32
    %add3A_22 = arith.addi %mul3A_20, %add3A_21 : i32
    "tpu.region"() ({
      %run_scoped3A = tpu.sem_alloc : memref<!tpu.dma_semaphore, #tpu.memory_space<semaphore_mem>>
      %dma_start3A_39 = tpu.memref_slice %arg3[%add3A_22] : memref<131072xi32, #tpu.memory_space<hbm>> -> memref<1024xi32, #tpu.memory_space<hbm>>
      %dma_start3A_40 = tpu.memref_slice %arg3[%add3A_22] : memref<131072xi32, #tpu.memory_space<hbm>> -> memref<1024xi32, #tpu.memory_space<hbm>>
      tpu.enqueue_dma source(%dma_start3A_40 : memref<1024xi32, #tpu.memory_space<hbm>>) target(%arg5 : memref<1024xi32, #tpu.memory_space<vmem>>) target_semaphore(%run_scoped3A : memref<!tpu.dma_semaphore, #tpu.memory_space<semaphore_mem>>)
      %dma_wait3A_41 = tpu.memref_slice %arg3[%add3A_22] : memref<131072xi32, #tpu.memory_space<hbm>> -> memref<1024xi32, #tpu.memory_space<hbm>>
      %dma_wait3A_42 = tpu.memref_slice %arg3[%add3A_22] : memref<131072xi32, #tpu.memory_space<hbm>> -> memref<1024xi32, #tpu.memory_space<hbm>>
      tpu.wait_dma2 semaphore(%run_scoped3A : memref<!tpu.dma_semaphore, #tpu.memory_space<semaphore_mem>>) src(%dma_wait3A_42 : memref<1024xi32, #tpu.memory_space<hbm>>) dst(%arg5 : memref<1024xi32, #tpu.memory_space<vmem>>)
      tpu.yield
    }) : () -> ()
    %dma_start3A_23 = arith.constant 0 : i32
    %dma_start3A_24 = arith.constant 0 : i32
    %dma_start3A_25 = tpu.memref_slice %arg2[%dma_start3A_23, %dma_start3A_24] : memref<8192x32xf32, #tpu.memory_space<hbm>> -> memref<8192x32xf32, #tpu.memory_space<hbm>>
    tpu.enqueue_indirect_dma source(%dma_start3A_25 : memref<8192x32xf32, #tpu.memory_space<hbm>>) target(%arg6 : memref<1024x32xf32, #tpu.memory_space<vmem>>) offsets(%arg5 : memref<1024xi32, #tpu.memory_space<vmem>>) semaphore(%arg7 : memref<!tpu.dma_semaphore, #tpu.memory_space<semaphore_mem>>)
    %dma_wait3A_26 = arith.constant 0 : i32
    %dma_wait3A_27 = arith.constant 0 : i32
    %dma_wait3A_28 = tpu.memref_slice %arg2[%dma_wait3A_26, %dma_wait3A_27] : memref<8192x32xf32, #tpu.memory_space<hbm>> -> memref<8192x32xf32, #tpu.memory_space<hbm>>
    tpu.wait_indirect_dma semaphore(%arg7 : memref<!tpu.dma_semaphore, #tpu.memory_space<semaphore_mem>>) src(%dma_wait3A_28 : memref<8192x32xf32, #tpu.memory_space<hbm>>) dst(%arg6 : memref<1024x32xf32, #tpu.memory_space<vmem>>)
    "tpu.region"() ({
      %run_scoped3A = tpu.sem_alloc : memref<!tpu.dma_semaphore, #tpu.memory_space<semaphore_mem>>
      %dma_start3A_39 = arith.constant 0 : i32
      %dma_start3A_40 = tpu.memref_slice %arg4[%add3A_22, %dma_start3A_39] : memref<131072x32xf32, #tpu.memory_space<hbm>> -> memref<1024x32xf32, #tpu.memory_space<hbm>>
      %dma_start3A_41 = arith.constant 0 : i32
      %dma_start3A_42 = tpu.memref_slice %arg4[%add3A_22, %dma_start3A_41] : memref<131072x32xf32, #tpu.memory_space<hbm>> -> memref<1024x32xf32, #tpu.memory_space<hbm>>
      tpu.enqueue_dma source(%arg6 : memref<1024x32xf32, #tpu.memory_space<vmem>>) target(%dma_start3A_42 : memref<1024x32xf32, #tpu.memory_space<hbm>>) target_semaphore(%run_scoped3A : memref<!tpu.dma_semaphore, #tpu.memory_space<semaphore_mem>>)
      %dma_wait3A_43 = arith.constant 0 : i32
      %dma_wait3A_44 = tpu.memref_slice %arg4[%add3A_22, %dma_wait3A_43] : memref<131072x32xf32, #tpu.memory_space<hbm>> -> memref<1024x32xf32, #tpu.memory_space<hbm>>
      %dma_wait3A_45 = arith.constant 0 : i32
      %dma_wait3A_46 = tpu.memref_slice %arg4[%add3A_22, %dma_wait3A_45] : memref<131072x32xf32, #tpu.memory_space<hbm>> -> memref<1024x32xf32, #tpu.memory_space<hbm>>
      tpu.wait_dma2 semaphore(%run_scoped3A : memref<!tpu.dma_semaphore, #tpu.memory_space<semaphore_mem>>) src(%arg6 : memref<1024x32xf32, #tpu.memory_space<vmem>>) dst(%dma_wait3A_46 : memref<1024x32xf32, #tpu.memory_space<hbm>>)
      tpu.yield
    }) : () -> ()
    %mul3A_29 = arith.constant 4096 : i32
    %mul3A_30 = arith.muli %add3A, %mul3A_29 : i32
    %add3A_31 = arith.constant 3072 : i32
    %add3A_32 = arith.addi %mul3A_30, %add3A_31 : i32
    "tpu.region"() ({
      %run_scoped3A = tpu.sem_alloc : memref<!tpu.dma_semaphore, #tpu.memory_space<semaphore_mem>>
      %dma_start3A_39 = tpu.memref_slice %arg3[%add3A_32] : memref<131072xi32, #tpu.memory_space<hbm>> -> memref<1024xi32, #tpu.memory_space<hbm>>
      %dma_start3A_40 = tpu.memref_slice %arg3[%add3A_32] : memref<131072xi32, #tpu.memory_space<hbm>> -> memref<1024xi32, #tpu.memory_space<hbm>>
      tpu.enqueue_dma source(%dma_start3A_40 : memref<1024xi32, #tpu.memory_space<hbm>>) target(%arg5 : memref<1024xi32, #tpu.memory_space<vmem>>) target_semaphore(%run_scoped3A : memref<!tpu.dma_semaphore, #tpu.memory_space<semaphore_mem>>)
      %dma_wait3A_41 = tpu.memref_slice %arg3[%add3A_32] : memref<131072xi32, #tpu.memory_space<hbm>> -> memref<1024xi32, #tpu.memory_space<hbm>>
      %dma_wait3A_42 = tpu.memref_slice %arg3[%add3A_32] : memref<131072xi32, #tpu.memory_space<hbm>> -> memref<1024xi32, #tpu.memory_space<hbm>>
      tpu.wait_dma2 semaphore(%run_scoped3A : memref<!tpu.dma_semaphore, #tpu.memory_space<semaphore_mem>>) src(%dma_wait3A_42 : memref<1024xi32, #tpu.memory_space<hbm>>) dst(%arg5 : memref<1024xi32, #tpu.memory_space<vmem>>)
      tpu.yield
    }) : () -> ()
    %dma_start3A_33 = arith.constant 0 : i32
    %dma_start3A_34 = arith.constant 0 : i32
    %dma_start3A_35 = tpu.memref_slice %arg2[%dma_start3A_33, %dma_start3A_34] : memref<8192x32xf32, #tpu.memory_space<hbm>> -> memref<8192x32xf32, #tpu.memory_space<hbm>>
    tpu.enqueue_indirect_dma source(%dma_start3A_35 : memref<8192x32xf32, #tpu.memory_space<hbm>>) target(%arg6 : memref<1024x32xf32, #tpu.memory_space<vmem>>) offsets(%arg5 : memref<1024xi32, #tpu.memory_space<vmem>>) semaphore(%arg7 : memref<!tpu.dma_semaphore, #tpu.memory_space<semaphore_mem>>)
    %dma_wait3A_36 = arith.constant 0 : i32
    %dma_wait3A_37 = arith.constant 0 : i32
    %dma_wait3A_38 = tpu.memref_slice %arg2[%dma_wait3A_36, %dma_wait3A_37] : memref<8192x32xf32, #tpu.memory_space<hbm>> -> memref<8192x32xf32, #tpu.memory_space<hbm>>
    tpu.wait_indirect_dma semaphore(%arg7 : memref<!tpu.dma_semaphore, #tpu.memory_space<semaphore_mem>>) src(%dma_wait3A_38 : memref<8192x32xf32, #tpu.memory_space<hbm>>) dst(%arg6 : memref<1024x32xf32, #tpu.memory_space<vmem>>)
    "tpu.region"() ({
      %run_scoped3A = tpu.sem_alloc : memref<!tpu.dma_semaphore, #tpu.memory_space<semaphore_mem>>
      %dma_start3A_39 = arith.constant 0 : i32
      %dma_start3A_40 = tpu.memref_slice %arg4[%add3A_32, %dma_start3A_39] : memref<131072x32xf32, #tpu.memory_space<hbm>> -> memref<1024x32xf32, #tpu.memory_space<hbm>>
      %dma_start3A_41 = arith.constant 0 : i32
      %dma_start3A_42 = tpu.memref_slice %arg4[%add3A_32, %dma_start3A_41] : memref<131072x32xf32, #tpu.memory_space<hbm>> -> memref<1024x32xf32, #tpu.memory_space<hbm>>
      tpu.enqueue_dma source(%arg6 : memref<1024x32xf32, #tpu.memory_space<vmem>>) target(%dma_start3A_42 : memref<1024x32xf32, #tpu.memory_space<hbm>>) target_semaphore(%run_scoped3A : memref<!tpu.dma_semaphore, #tpu.memory_space<semaphore_mem>>)
      %dma_wait3A_43 = arith.constant 0 : i32
      %dma_wait3A_44 = tpu.memref_slice %arg4[%add3A_32, %dma_wait3A_43] : memref<131072x32xf32, #tpu.memory_space<hbm>> -> memref<1024x32xf32, #tpu.memory_space<hbm>>
      %dma_wait3A_45 = arith.constant 0 : i32
      %dma_wait3A_46 = tpu.memref_slice %arg4[%add3A_32, %dma_wait3A_45] : memref<131072x32xf32, #tpu.memory_space<hbm>> -> memref<1024x32xf32, #tpu.memory_space<hbm>>
      tpu.wait_dma2 semaphore(%run_scoped3A : memref<!tpu.dma_semaphore, #tpu.memory_space<semaphore_mem>>) src(%arg6 : memref<1024x32xf32, #tpu.memory_space<vmem>>) dst(%dma_wait3A_46 : memref<1024x32xf32, #tpu.memory_space<hbm>>)
      tpu.yield
    }) : () -> ()
    return
  }
}

module attributes {stable_mosaic.version = 14 : i64} {
  func.func @_vq_tc_kernel(%arg0: i32, %arg1: memref<2048x256xf32, #tpu.memory_space<vmem>>, %arg2: memref<2048x8xf32, #tpu.memory_space<vmem>>, %arg3: memref<8x32x1024xf32, #tpu.memory_space<vmem>>, %arg4: memref<8x1024xf32, #tpu.memory_space<vmem>>, %arg5: memref<1x1024xf32, #tpu.memory_space<vmem>>, %arg6: memref<2048x8xi32, #tpu.memory_space<vmem>>, %arg7: memref<2048x8xi32, #tpu.memory_space<vmem>>, %arg8: memref<1x1xf32, #tpu.memory_space<smem>>) attributes {dimension_semantics = [#tpu.dimension_semantics<arbitrary>], iteration_bounds = array<i64: 8>, scalar_prefetch = 0 : i64, scratch_operands = 0 : i64, tpu.core_type = #tpu.core_type<tc>, window_params = [{transform_indices = @transform_0, window_bounds = array<i64: 2048, 256>}, {transform_indices = @transform_1, window_bounds = array<i64: 2048, 8>}, {pipeline_mode = #tpu.pipeline_mode<synchronous>, transform_indices = @transform_2, window_bounds = array<i64: 8, 32, 1024>}, {pipeline_mode = #tpu.pipeline_mode<synchronous>, transform_indices = @transform_3, window_bounds = array<i64: 8, 1024>}, {pipeline_mode = #tpu.pipeline_mode<synchronous>, transform_indices = @transform_4, window_bounds = array<i64: 1, 1024>}, {transform_indices = @transform_5, window_bounds = array<i64: 2048, 8>}, {transform_indices = @transform_6, window_bounds = array<i64: 2048, 8>}, {transform_indices = @transform_7, window_bounds = array<i64: 1, 1>}]} {
    %get3A = arith.constant 0 : index
    %get3A_0 = arith.constant 0 : index
    %get3A_1 = vector.load %arg1[%get3A, %get3A_0] : memref<2048x256xf32, #tpu.memory_space<vmem>>, vector<2048x32xf32>
    %get3A_2 = arith.constant 0 : index
    %get3A_3 = arith.constant 0 : index
    %get3A_4 = arith.constant 0 : index
    %get3A_5 = vector.load %arg3[%get3A_2, %get3A_3, %get3A_4] : memref<8x32x1024xf32, #tpu.memory_space<vmem>>, vector<1x32x1024xf32>
    %get3A_6 = vector.shape_cast %get3A_5 : vector<1x32x1024xf32> to vector<32x1024xf32>
    %dot_general3A = arith.constant dense<0.000000e+00> : vector<2048x1024xf32>
    %dot_general3A_7 = tpu.matmul %get3A_1, %get3A_6, %dot_general3A {dimension_numbers = #tpu.dot_dimension_numbers<[1], [0], [0], [1], [0, 0, 1, 1], [], []>, transpose_lhs_hint = false} : vector<2048x32xf32>, vector<32x1024xf32>, vector<2048x1024xf32> -> vector<2048x1024xf32>
    %get3A_8 = arith.constant 0 : index
    %get3A_9 = arith.constant 0 : index
    %get3A_10 = vector.load %arg2[%get3A_8, %get3A_9] : memref<2048x8xf32, #tpu.memory_space<vmem>>, vector<2048x1xf32>
    %get3A_11 = arith.constant 0 : index
    %get3A_12 = arith.constant 0 : index
    %get3A_13 = vector.load %arg4[%get3A_11, %get3A_12] : memref<8x1024xf32, #tpu.memory_space<vmem>>, vector<1x1024xf32>
    %get3A_14 = vector.shape_cast %get3A_13 : vector<1x1024xf32> to vector<1024xf32>
    %broadcast_in_dim3A = vector.shape_cast %get3A_14 : vector<1024xf32> to vector<1x1024xf32>
    %add3A = vector.broadcast %get3A_10 : vector<2048x1xf32> to vector<2048x1024xf32>
    %add3A_15 = vector.broadcast %broadcast_in_dim3A : vector<1x1024xf32> to vector<2048x1024xf32>
    %add3A_16 = arith.addf %add3A, %add3A_15 : vector<2048x1024xf32>
    %sub3A = arith.subf %add3A_16, %dot_general3A_7 : vector<2048x1024xf32>
    %reduce_min3A = arith.constant dense<0x7F800000> : vector<2048xf32>
    %reduce_min3A_17 = vector.multi_reduction <minimumf>, %sub3A, %reduce_min3A [1] : vector<2048x1024xf32> to vector<2048xf32>
    %broadcast_in_dim3A_18 = vector.shape_cast %reduce_min3A_17 : vector<2048xf32> to vector<2048x1xf32>
    %eq3A = vector.broadcast %broadcast_in_dim3A_18 : vector<2048x1xf32> to vector<2048x1024xf32>
    %eq3A_19 = arith.cmpf oeq, %sub3A, %eq3A : vector<2048x1024xf32>
    %get3A_20 = arith.constant 0 : index
    %get3A_21 = arith.constant 0 : index
    %get3A_22 = vector.load %arg5[%get3A_20, %get3A_21] : memref<1x1024xf32, #tpu.memory_space<vmem>>, vector<1x1024xf32>
    %get3A_23 = vector.shape_cast %get3A_22 : vector<1x1024xf32> to vector<1024xf32>
    %jit3A = arith.constant 1.024000e+03 : f32
    %broadcast_in_dim3A_24 = vector.shape_cast %get3A_23 : vector<1024xf32> to vector<1x1024xf32>
    %broadcast_in_dim3A_25 = vector.broadcast %broadcast_in_dim3A_24 : vector<1x1024xf32> to vector<2048x1024xf32>
    %broadcast_in_dim3A_26 = vector.broadcast %jit3A : f32 to vector<2048x1024xf32>
    %select_n3A = arith.select %eq3A_19, %broadcast_in_dim3A_25, %broadcast_in_dim3A_26 : vector<2048x1024xi1>, vector<2048x1024xf32>
    %reduce_min3A_27 = arith.constant dense<0x7F800000> : vector<2048xf32>
    %reduce_min3A_28 = vector.multi_reduction <minimumf>, %select_n3A, %reduce_min3A_27 [1] : vector<2048x1024xf32> to vector<2048xf32>
    %convert_element_type3A = arith.fptosi %reduce_min3A_28 : vector<2048xf32> to vector<2048xi32>
    %add3A_29 = arith.constant 0 : i32
    %add3A_30 = vector.broadcast %add3A_29 : i32 to vector<2048xi32>
    %add3A_31 = arith.addi %convert_element_type3A, %add3A_30 : vector<2048xi32>
    %get3A_32 = arith.constant 0 : index
    %get3A_33 = arith.constant 32 : index
    %get3A_34 = vector.load %arg1[%get3A_32, %get3A_33] : memref<2048x256xf32, #tpu.memory_space<vmem>>, vector<2048x32xf32>
    %get3A_35 = arith.constant 1 : index
    %get3A_36 = arith.constant 0 : index
    %get3A_37 = arith.constant 0 : index
    %get3A_38 = vector.load %arg3[%get3A_35, %get3A_36, %get3A_37] : memref<8x32x1024xf32, #tpu.memory_space<vmem>>, vector<1x32x1024xf32>
    %get3A_39 = vector.shape_cast %get3A_38 : vector<1x32x1024xf32> to vector<32x1024xf32>
    %dot_general3A_40 = arith.constant dense<0.000000e+00> : vector<2048x1024xf32>
    %dot_general3A_41 = tpu.matmul %get3A_34, %get3A_39, %dot_general3A_40 {dimension_numbers = #tpu.dot_dimension_numbers<[1], [0], [0], [1], [0, 0, 1, 1], [], []>, transpose_lhs_hint = false} : vector<2048x32xf32>, vector<32x1024xf32>, vector<2048x1024xf32> -> vector<2048x1024xf32>
    %get3A_42 = arith.constant 0 : index
    %get3A_43 = arith.constant 1 : index
    %get3A_44 = vector.load %arg2[%get3A_42, %get3A_43] : memref<2048x8xf32, #tpu.memory_space<vmem>>, vector<2048x1xf32>
    %get3A_45 = arith.constant 1 : index
    %get3A_46 = arith.constant 0 : index
    %get3A_47 = vector.load %arg4[%get3A_45, %get3A_46] : memref<8x1024xf32, #tpu.memory_space<vmem>>, vector<1x1024xf32>
    %get3A_48 = vector.shape_cast %get3A_47 : vector<1x1024xf32> to vector<1024xf32>
    %broadcast_in_dim3A_49 = vector.shape_cast %get3A_48 : vector<1024xf32> to vector<1x1024xf32>
    %add3A_50 = vector.broadcast %get3A_44 : vector<2048x1xf32> to vector<2048x1024xf32>
    %add3A_51 = vector.broadcast %broadcast_in_dim3A_49 : vector<1x1024xf32> to vector<2048x1024xf32>
    %add3A_52 = arith.addf %add3A_50, %add3A_51 : vector<2048x1024xf32>
    %sub3A_53 = arith.subf %add3A_52, %dot_general3A_41 : vector<2048x1024xf32>
    %reduce_min3A_54 = arith.constant dense<0x7F800000> : vector<2048xf32>
    %reduce_min3A_55 = vector.multi_reduction <minimumf>, %sub3A_53, %reduce_min3A_54 [1] : vector<2048x1024xf32> to vector<2048xf32>
    %add3A_56 = arith.addf %reduce_min3A_17, %reduce_min3A_55 : vector<2048xf32>
    %broadcast_in_dim3A_57 = vector.shape_cast %reduce_min3A_55 : vector<2048xf32> to vector<2048x1xf32>
    %eq3A_58 = vector.broadcast %broadcast_in_dim3A_57 : vector<2048x1xf32> to vector<2048x1024xf32>
    %eq3A_59 = arith.cmpf oeq, %sub3A_53, %eq3A_58 : vector<2048x1024xf32>
    %get3A_60 = arith.constant 0 : index
    %get3A_61 = arith.constant 0 : index
    %get3A_62 = vector.load %arg5[%get3A_60, %get3A_61] : memref<1x1024xf32, #tpu.memory_space<vmem>>, vector<1x1024xf32>
    %get3A_63 = vector.shape_cast %get3A_62 : vector<1x1024xf32> to vector<1024xf32>
    %jit3A_64 = arith.constant 1.024000e+03 : f32
    %broadcast_in_dim3A_65 = vector.shape_cast %get3A_63 : vector<1024xf32> to vector<1x1024xf32>
    %broadcast_in_dim3A_66 = vector.broadcast %broadcast_in_dim3A_65 : vector<1x1024xf32> to vector<2048x1024xf32>
    %broadcast_in_dim3A_67 = vector.broadcast %jit3A_64 : f32 to vector<2048x1024xf32>
    %select_n3A_68 = arith.select %eq3A_59, %broadcast_in_dim3A_66, %broadcast_in_dim3A_67 : vector<2048x1024xi1>, vector<2048x1024xf32>
    %reduce_min3A_69 = arith.constant dense<0x7F800000> : vector<2048xf32>
    %reduce_min3A_70 = vector.multi_reduction <minimumf>, %select_n3A_68, %reduce_min3A_69 [1] : vector<2048x1024xf32> to vector<2048xf32>
    %convert_element_type3A_71 = arith.fptosi %reduce_min3A_70 : vector<2048xf32> to vector<2048xi32>
    %add3A_72 = arith.constant 1024 : i32
    %add3A_73 = vector.broadcast %add3A_72 : i32 to vector<2048xi32>
    %add3A_74 = arith.addi %convert_element_type3A_71, %add3A_73 : vector<2048xi32>
    %get3A_75 = arith.constant 0 : index
    %get3A_76 = arith.constant 64 : index
    %get3A_77 = vector.load %arg1[%get3A_75, %get3A_76] : memref<2048x256xf32, #tpu.memory_space<vmem>>, vector<2048x32xf32>
    %get3A_78 = arith.constant 2 : index
    %get3A_79 = arith.constant 0 : index
    %get3A_80 = arith.constant 0 : index
    %get3A_81 = vector.load %arg3[%get3A_78, %get3A_79, %get3A_80] : memref<8x32x1024xf32, #tpu.memory_space<vmem>>, vector<1x32x1024xf32>
    %get3A_82 = vector.shape_cast %get3A_81 : vector<1x32x1024xf32> to vector<32x1024xf32>
    %dot_general3A_83 = arith.constant dense<0.000000e+00> : vector<2048x1024xf32>
    %dot_general3A_84 = tpu.matmul %get3A_77, %get3A_82, %dot_general3A_83 {dimension_numbers = #tpu.dot_dimension_numbers<[1], [0], [0], [1], [0, 0, 1, 1], [], []>, transpose_lhs_hint = false} : vector<2048x32xf32>, vector<32x1024xf32>, vector<2048x1024xf32> -> vector<2048x1024xf32>
    %get3A_85 = arith.constant 0 : index
    %get3A_86 = arith.constant 2 : index
    %get3A_87 = vector.load %arg2[%get3A_85, %get3A_86] : memref<2048x8xf32, #tpu.memory_space<vmem>>, vector<2048x1xf32>
    %get3A_88 = arith.constant 2 : index
    %get3A_89 = arith.constant 0 : index
    %get3A_90 = vector.load %arg4[%get3A_88, %get3A_89] : memref<8x1024xf32, #tpu.memory_space<vmem>>, vector<1x1024xf32>
    %get3A_91 = vector.shape_cast %get3A_90 : vector<1x1024xf32> to vector<1024xf32>
    %broadcast_in_dim3A_92 = vector.shape_cast %get3A_91 : vector<1024xf32> to vector<1x1024xf32>
    %add3A_93 = vector.broadcast %get3A_87 : vector<2048x1xf32> to vector<2048x1024xf32>
    %add3A_94 = vector.broadcast %broadcast_in_dim3A_92 : vector<1x1024xf32> to vector<2048x1024xf32>
    %add3A_95 = arith.addf %add3A_93, %add3A_94 : vector<2048x1024xf32>
    %sub3A_96 = arith.subf %add3A_95, %dot_general3A_84 : vector<2048x1024xf32>
    %reduce_min3A_97 = arith.constant dense<0x7F800000> : vector<2048xf32>
    %reduce_min3A_98 = vector.multi_reduction <minimumf>, %sub3A_96, %reduce_min3A_97 [1] : vector<2048x1024xf32> to vector<2048xf32>
    %add3A_99 = arith.addf %add3A_56, %reduce_min3A_98 : vector<2048xf32>
    %broadcast_in_dim3A_100 = vector.shape_cast %reduce_min3A_98 : vector<2048xf32> to vector<2048x1xf32>
    %eq3A_101 = vector.broadcast %broadcast_in_dim3A_100 : vector<2048x1xf32> to vector<2048x1024xf32>
    %eq3A_102 = arith.cmpf oeq, %sub3A_96, %eq3A_101 : vector<2048x1024xf32>
    %get3A_103 = arith.constant 0 : index
    %get3A_104 = arith.constant 0 : index
    %get3A_105 = vector.load %arg5[%get3A_103, %get3A_104] : memref<1x1024xf32, #tpu.memory_space<vmem>>, vector<1x1024xf32>
    %get3A_106 = vector.shape_cast %get3A_105 : vector<1x1024xf32> to vector<1024xf32>
    %jit3A_107 = arith.constant 1.024000e+03 : f32
    %broadcast_in_dim3A_108 = vector.shape_cast %get3A_106 : vector<1024xf32> to vector<1x1024xf32>
    %broadcast_in_dim3A_109 = vector.broadcast %broadcast_in_dim3A_108 : vector<1x1024xf32> to vector<2048x1024xf32>
    %broadcast_in_dim3A_110 = vector.broadcast %jit3A_107 : f32 to vector<2048x1024xf32>
    %select_n3A_111 = arith.select %eq3A_102, %broadcast_in_dim3A_109, %broadcast_in_dim3A_110 : vector<2048x1024xi1>, vector<2048x1024xf32>
    %reduce_min3A_112 = arith.constant dense<0x7F800000> : vector<2048xf32>
    %reduce_min3A_113 = vector.multi_reduction <minimumf>, %select_n3A_111, %reduce_min3A_112 [1] : vector<2048x1024xf32> to vector<2048xf32>
    %convert_element_type3A_114 = arith.fptosi %reduce_min3A_113 : vector<2048xf32> to vector<2048xi32>
    %add3A_115 = arith.constant 2048 : i32
    %add3A_116 = vector.broadcast %add3A_115 : i32 to vector<2048xi32>
    %add3A_117 = arith.addi %convert_element_type3A_114, %add3A_116 : vector<2048xi32>
    %get3A_118 = arith.constant 0 : index
    %get3A_119 = arith.constant 96 : index
    %get3A_120 = vector.load %arg1[%get3A_118, %get3A_119] : memref<2048x256xf32, #tpu.memory_space<vmem>>, vector<2048x32xf32>
    %get3A_121 = arith.constant 3 : index
    %get3A_122 = arith.constant 0 : index
    %get3A_123 = arith.constant 0 : index
    %get3A_124 = vector.load %arg3[%get3A_121, %get3A_122, %get3A_123] : memref<8x32x1024xf32, #tpu.memory_space<vmem>>, vector<1x32x1024xf32>
    %get3A_125 = vector.shape_cast %get3A_124 : vector<1x32x1024xf32> to vector<32x1024xf32>
    %dot_general3A_126 = arith.constant dense<0.000000e+00> : vector<2048x1024xf32>
    %dot_general3A_127 = tpu.matmul %get3A_120, %get3A_125, %dot_general3A_126 {dimension_numbers = #tpu.dot_dimension_numbers<[1], [0], [0], [1], [0, 0, 1, 1], [], []>, transpose_lhs_hint = false} : vector<2048x32xf32>, vector<32x1024xf32>, vector<2048x1024xf32> -> vector<2048x1024xf32>
    %get3A_128 = arith.constant 0 : index
    %get3A_129 = arith.constant 3 : index
    %get3A_130 = vector.load %arg2[%get3A_128, %get3A_129] : memref<2048x8xf32, #tpu.memory_space<vmem>>, vector<2048x1xf32>
    %get3A_131 = arith.constant 3 : index
    %get3A_132 = arith.constant 0 : index
    %get3A_133 = vector.load %arg4[%get3A_131, %get3A_132] : memref<8x1024xf32, #tpu.memory_space<vmem>>, vector<1x1024xf32>
    %get3A_134 = vector.shape_cast %get3A_133 : vector<1x1024xf32> to vector<1024xf32>
    %broadcast_in_dim3A_135 = vector.shape_cast %get3A_134 : vector<1024xf32> to vector<1x1024xf32>
    %add3A_136 = vector.broadcast %get3A_130 : vector<2048x1xf32> to vector<2048x1024xf32>
    %add3A_137 = vector.broadcast %broadcast_in_dim3A_135 : vector<1x1024xf32> to vector<2048x1024xf32>
    %add3A_138 = arith.addf %add3A_136, %add3A_137 : vector<2048x1024xf32>
    %sub3A_139 = arith.subf %add3A_138, %dot_general3A_127 : vector<2048x1024xf32>
    %reduce_min3A_140 = arith.constant dense<0x7F800000> : vector<2048xf32>
    %reduce_min3A_141 = vector.multi_reduction <minimumf>, %sub3A_139, %reduce_min3A_140 [1] : vector<2048x1024xf32> to vector<2048xf32>
    %add3A_142 = arith.addf %add3A_99, %reduce_min3A_141 : vector<2048xf32>
    %broadcast_in_dim3A_143 = vector.shape_cast %reduce_min3A_141 : vector<2048xf32> to vector<2048x1xf32>
    %eq3A_144 = vector.broadcast %broadcast_in_dim3A_143 : vector<2048x1xf32> to vector<2048x1024xf32>
    %eq3A_145 = arith.cmpf oeq, %sub3A_139, %eq3A_144 : vector<2048x1024xf32>
    %get3A_146 = arith.constant 0 : index
    %get3A_147 = arith.constant 0 : index
    %get3A_148 = vector.load %arg5[%get3A_146, %get3A_147] : memref<1x1024xf32, #tpu.memory_space<vmem>>, vector<1x1024xf32>
    %get3A_149 = vector.shape_cast %get3A_148 : vector<1x1024xf32> to vector<1024xf32>
    %jit3A_150 = arith.constant 1.024000e+03 : f32
    %broadcast_in_dim3A_151 = vector.shape_cast %get3A_149 : vector<1024xf32> to vector<1x1024xf32>
    %broadcast_in_dim3A_152 = vector.broadcast %broadcast_in_dim3A_151 : vector<1x1024xf32> to vector<2048x1024xf32>
    %broadcast_in_dim3A_153 = vector.broadcast %jit3A_150 : f32 to vector<2048x1024xf32>
    %select_n3A_154 = arith.select %eq3A_145, %broadcast_in_dim3A_152, %broadcast_in_dim3A_153 : vector<2048x1024xi1>, vector<2048x1024xf32>
    %reduce_min3A_155 = arith.constant dense<0x7F800000> : vector<2048xf32>
    %reduce_min3A_156 = vector.multi_reduction <minimumf>, %select_n3A_154, %reduce_min3A_155 [1] : vector<2048x1024xf32> to vector<2048xf32>
    %convert_element_type3A_157 = arith.fptosi %reduce_min3A_156 : vector<2048xf32> to vector<2048xi32>
    %add3A_158 = arith.constant 3072 : i32
    %add3A_159 = vector.broadcast %add3A_158 : i32 to vector<2048xi32>
    %add3A_160 = arith.addi %convert_element_type3A_157, %add3A_159 : vector<2048xi32>
    %get3A_161 = arith.constant 0 : index
    %get3A_162 = arith.constant 128 : index
    %get3A_163 = vector.load %arg1[%get3A_161, %get3A_162] : memref<2048x256xf32, #tpu.memory_space<vmem>>, vector<2048x32xf32>
    %get3A_164 = arith.constant 4 : index
    %get3A_165 = arith.constant 0 : index
    %get3A_166 = arith.constant 0 : index
    %get3A_167 = vector.load %arg3[%get3A_164, %get3A_165, %get3A_166] : memref<8x32x1024xf32, #tpu.memory_space<vmem>>, vector<1x32x1024xf32>
    %get3A_168 = vector.shape_cast %get3A_167 : vector<1x32x1024xf32> to vector<32x1024xf32>
    %dot_general3A_169 = arith.constant dense<0.000000e+00> : vector<2048x1024xf32>
    %dot_general3A_170 = tpu.matmul %get3A_163, %get3A_168, %dot_general3A_169 {dimension_numbers = #tpu.dot_dimension_numbers<[1], [0], [0], [1], [0, 0, 1, 1], [], []>, transpose_lhs_hint = false} : vector<2048x32xf32>, vector<32x1024xf32>, vector<2048x1024xf32> -> vector<2048x1024xf32>
    %get3A_171 = arith.constant 0 : index
    %get3A_172 = arith.constant 4 : index
    %get3A_173 = vector.load %arg2[%get3A_171, %get3A_172] : memref<2048x8xf32, #tpu.memory_space<vmem>>, vector<2048x1xf32>
    %get3A_174 = arith.constant 4 : index
    %get3A_175 = arith.constant 0 : index
    %get3A_176 = vector.load %arg4[%get3A_174, %get3A_175] : memref<8x1024xf32, #tpu.memory_space<vmem>>, vector<1x1024xf32>
    %get3A_177 = vector.shape_cast %get3A_176 : vector<1x1024xf32> to vector<1024xf32>
    %broadcast_in_dim3A_178 = vector.shape_cast %get3A_177 : vector<1024xf32> to vector<1x1024xf32>
    %add3A_179 = vector.broadcast %get3A_173 : vector<2048x1xf32> to vector<2048x1024xf32>
    %add3A_180 = vector.broadcast %broadcast_in_dim3A_178 : vector<1x1024xf32> to vector<2048x1024xf32>
    %add3A_181 = arith.addf %add3A_179, %add3A_180 : vector<2048x1024xf32>
    %sub3A_182 = arith.subf %add3A_181, %dot_general3A_170 : vector<2048x1024xf32>
    %reduce_min3A_183 = arith.constant dense<0x7F800000> : vector<2048xf32>
    %reduce_min3A_184 = vector.multi_reduction <minimumf>, %sub3A_182, %reduce_min3A_183 [1] : vector<2048x1024xf32> to vector<2048xf32>
    %add3A_185 = arith.addf %add3A_142, %reduce_min3A_184 : vector<2048xf32>
    %broadcast_in_dim3A_186 = vector.shape_cast %reduce_min3A_184 : vector<2048xf32> to vector<2048x1xf32>
    %eq3A_187 = vector.broadcast %broadcast_in_dim3A_186 : vector<2048x1xf32> to vector<2048x1024xf32>
    %eq3A_188 = arith.cmpf oeq, %sub3A_182, %eq3A_187 : vector<2048x1024xf32>
    %get3A_189 = arith.constant 0 : index
    %get3A_190 = arith.constant 0 : index
    %get3A_191 = vector.load %arg5[%get3A_189, %get3A_190] : memref<1x1024xf32, #tpu.memory_space<vmem>>, vector<1x1024xf32>
    %get3A_192 = vector.shape_cast %get3A_191 : vector<1x1024xf32> to vector<1024xf32>
    %jit3A_193 = arith.constant 1.024000e+03 : f32
    %broadcast_in_dim3A_194 = vector.shape_cast %get3A_192 : vector<1024xf32> to vector<1x1024xf32>
    %broadcast_in_dim3A_195 = vector.broadcast %broadcast_in_dim3A_194 : vector<1x1024xf32> to vector<2048x1024xf32>
    %broadcast_in_dim3A_196 = vector.broadcast %jit3A_193 : f32 to vector<2048x1024xf32>
    %select_n3A_197 = arith.select %eq3A_188, %broadcast_in_dim3A_195, %broadcast_in_dim3A_196 : vector<2048x1024xi1>, vector<2048x1024xf32>
    %reduce_min3A_198 = arith.constant dense<0x7F800000> : vector<2048xf32>
    %reduce_min3A_199 = vector.multi_reduction <minimumf>, %select_n3A_197, %reduce_min3A_198 [1] : vector<2048x1024xf32> to vector<2048xf32>
    %convert_element_type3A_200 = arith.fptosi %reduce_min3A_199 : vector<2048xf32> to vector<2048xi32>
    %add3A_201 = arith.constant 4096 : i32
    %add3A_202 = vector.broadcast %add3A_201 : i32 to vector<2048xi32>
    %add3A_203 = arith.addi %convert_element_type3A_200, %add3A_202 : vector<2048xi32>
    %get3A_204 = arith.constant 0 : index
    %get3A_205 = arith.constant 160 : index
    %get3A_206 = vector.load %arg1[%get3A_204, %get3A_205] : memref<2048x256xf32, #tpu.memory_space<vmem>>, vector<2048x32xf32>
    %get3A_207 = arith.constant 5 : index
    %get3A_208 = arith.constant 0 : index
    %get3A_209 = arith.constant 0 : index
    %get3A_210 = vector.load %arg3[%get3A_207, %get3A_208, %get3A_209] : memref<8x32x1024xf32, #tpu.memory_space<vmem>>, vector<1x32x1024xf32>
    %get3A_211 = vector.shape_cast %get3A_210 : vector<1x32x1024xf32> to vector<32x1024xf32>
    %dot_general3A_212 = arith.constant dense<0.000000e+00> : vector<2048x1024xf32>
    %dot_general3A_213 = tpu.matmul %get3A_206, %get3A_211, %dot_general3A_212 {dimension_numbers = #tpu.dot_dimension_numbers<[1], [0], [0], [1], [0, 0, 1, 1], [], []>, transpose_lhs_hint = false} : vector<2048x32xf32>, vector<32x1024xf32>, vector<2048x1024xf32> -> vector<2048x1024xf32>
    %get3A_214 = arith.constant 0 : index
    %get3A_215 = arith.constant 5 : index
    %get3A_216 = vector.load %arg2[%get3A_214, %get3A_215] : memref<2048x8xf32, #tpu.memory_space<vmem>>, vector<2048x1xf32>
    %get3A_217 = arith.constant 5 : index
    %get3A_218 = arith.constant 0 : index
    %get3A_219 = vector.load %arg4[%get3A_217, %get3A_218] : memref<8x1024xf32, #tpu.memory_space<vmem>>, vector<1x1024xf32>
    %get3A_220 = vector.shape_cast %get3A_219 : vector<1x1024xf32> to vector<1024xf32>
    %broadcast_in_dim3A_221 = vector.shape_cast %get3A_220 : vector<1024xf32> to vector<1x1024xf32>
    %add3A_222 = vector.broadcast %get3A_216 : vector<2048x1xf32> to vector<2048x1024xf32>
    %add3A_223 = vector.broadcast %broadcast_in_dim3A_221 : vector<1x1024xf32> to vector<2048x1024xf32>
    %add3A_224 = arith.addf %add3A_222, %add3A_223 : vector<2048x1024xf32>
    %sub3A_225 = arith.subf %add3A_224, %dot_general3A_213 : vector<2048x1024xf32>
    %reduce_min3A_226 = arith.constant dense<0x7F800000> : vector<2048xf32>
    %reduce_min3A_227 = vector.multi_reduction <minimumf>, %sub3A_225, %reduce_min3A_226 [1] : vector<2048x1024xf32> to vector<2048xf32>
    %add3A_228 = arith.addf %add3A_185, %reduce_min3A_227 : vector<2048xf32>
    %broadcast_in_dim3A_229 = vector.shape_cast %reduce_min3A_227 : vector<2048xf32> to vector<2048x1xf32>
    %eq3A_230 = vector.broadcast %broadcast_in_dim3A_229 : vector<2048x1xf32> to vector<2048x1024xf32>
    %eq3A_231 = arith.cmpf oeq, %sub3A_225, %eq3A_230 : vector<2048x1024xf32>
    %get3A_232 = arith.constant 0 : index
    %get3A_233 = arith.constant 0 : index
    %get3A_234 = vector.load %arg5[%get3A_232, %get3A_233] : memref<1x1024xf32, #tpu.memory_space<vmem>>, vector<1x1024xf32>
    %get3A_235 = vector.shape_cast %get3A_234 : vector<1x1024xf32> to vector<1024xf32>
    %jit3A_236 = arith.constant 1.024000e+03 : f32
    %broadcast_in_dim3A_237 = vector.shape_cast %get3A_235 : vector<1024xf32> to vector<1x1024xf32>
    %broadcast_in_dim3A_238 = vector.broadcast %broadcast_in_dim3A_237 : vector<1x1024xf32> to vector<2048x1024xf32>
    %broadcast_in_dim3A_239 = vector.broadcast %jit3A_236 : f32 to vector<2048x1024xf32>
    %select_n3A_240 = arith.select %eq3A_231, %broadcast_in_dim3A_238, %broadcast_in_dim3A_239 : vector<2048x1024xi1>, vector<2048x1024xf32>
    %reduce_min3A_241 = arith.constant dense<0x7F800000> : vector<2048xf32>
    %reduce_min3A_242 = vector.multi_reduction <minimumf>, %select_n3A_240, %reduce_min3A_241 [1] : vector<2048x1024xf32> to vector<2048xf32>
    %convert_element_type3A_243 = arith.fptosi %reduce_min3A_242 : vector<2048xf32> to vector<2048xi32>
    %add3A_244 = arith.constant 5120 : i32
    %add3A_245 = vector.broadcast %add3A_244 : i32 to vector<2048xi32>
    %add3A_246 = arith.addi %convert_element_type3A_243, %add3A_245 : vector<2048xi32>
    %get3A_247 = arith.constant 0 : index
    %get3A_248 = arith.constant 192 : index
    %get3A_249 = vector.load %arg1[%get3A_247, %get3A_248] : memref<2048x256xf32, #tpu.memory_space<vmem>>, vector<2048x32xf32>
    %get3A_250 = arith.constant 6 : index
    %get3A_251 = arith.constant 0 : index
    %get3A_252 = arith.constant 0 : index
    %get3A_253 = vector.load %arg3[%get3A_250, %get3A_251, %get3A_252] : memref<8x32x1024xf32, #tpu.memory_space<vmem>>, vector<1x32x1024xf32>
    %get3A_254 = vector.shape_cast %get3A_253 : vector<1x32x1024xf32> to vector<32x1024xf32>
    %dot_general3A_255 = arith.constant dense<0.000000e+00> : vector<2048x1024xf32>
    %dot_general3A_256 = tpu.matmul %get3A_249, %get3A_254, %dot_general3A_255 {dimension_numbers = #tpu.dot_dimension_numbers<[1], [0], [0], [1], [0, 0, 1, 1], [], []>, transpose_lhs_hint = false} : vector<2048x32xf32>, vector<32x1024xf32>, vector<2048x1024xf32> -> vector<2048x1024xf32>
    %get3A_257 = arith.constant 0 : index
    %get3A_258 = arith.constant 6 : index
    %get3A_259 = vector.load %arg2[%get3A_257, %get3A_258] : memref<2048x8xf32, #tpu.memory_space<vmem>>, vector<2048x1xf32>
    %get3A_260 = arith.constant 6 : index
    %get3A_261 = arith.constant 0 : index
    %get3A_262 = vector.load %arg4[%get3A_260, %get3A_261] : memref<8x1024xf32, #tpu.memory_space<vmem>>, vector<1x1024xf32>
    %get3A_263 = vector.shape_cast %get3A_262 : vector<1x1024xf32> to vector<1024xf32>
    %broadcast_in_dim3A_264 = vector.shape_cast %get3A_263 : vector<1024xf32> to vector<1x1024xf32>
    %add3A_265 = vector.broadcast %get3A_259 : vector<2048x1xf32> to vector<2048x1024xf32>
    %add3A_266 = vector.broadcast %broadcast_in_dim3A_264 : vector<1x1024xf32> to vector<2048x1024xf32>
    %add3A_267 = arith.addf %add3A_265, %add3A_266 : vector<2048x1024xf32>
    %sub3A_268 = arith.subf %add3A_267, %dot_general3A_256 : vector<2048x1024xf32>
    %reduce_min3A_269 = arith.constant dense<0x7F800000> : vector<2048xf32>
    %reduce_min3A_270 = vector.multi_reduction <minimumf>, %sub3A_268, %reduce_min3A_269 [1] : vector<2048x1024xf32> to vector<2048xf32>
    %add3A_271 = arith.addf %add3A_228, %reduce_min3A_270 : vector<2048xf32>
    %broadcast_in_dim3A_272 = vector.shape_cast %reduce_min3A_270 : vector<2048xf32> to vector<2048x1xf32>
    %eq3A_273 = vector.broadcast %broadcast_in_dim3A_272 : vector<2048x1xf32> to vector<2048x1024xf32>
    %eq3A_274 = arith.cmpf oeq, %sub3A_268, %eq3A_273 : vector<2048x1024xf32>
    %get3A_275 = arith.constant 0 : index
    %get3A_276 = arith.constant 0 : index
    %get3A_277 = vector.load %arg5[%get3A_275, %get3A_276] : memref<1x1024xf32, #tpu.memory_space<vmem>>, vector<1x1024xf32>
    %get3A_278 = vector.shape_cast %get3A_277 : vector<1x1024xf32> to vector<1024xf32>
    %jit3A_279 = arith.constant 1.024000e+03 : f32
    %broadcast_in_dim3A_280 = vector.shape_cast %get3A_278 : vector<1024xf32> to vector<1x1024xf32>
    %broadcast_in_dim3A_281 = vector.broadcast %broadcast_in_dim3A_280 : vector<1x1024xf32> to vector<2048x1024xf32>
    %broadcast_in_dim3A_282 = vector.broadcast %jit3A_279 : f32 to vector<2048x1024xf32>
    %select_n3A_283 = arith.select %eq3A_274, %broadcast_in_dim3A_281, %broadcast_in_dim3A_282 : vector<2048x1024xi1>, vector<2048x1024xf32>
    %reduce_min3A_284 = arith.constant dense<0x7F800000> : vector<2048xf32>
    %reduce_min3A_285 = vector.multi_reduction <minimumf>, %select_n3A_283, %reduce_min3A_284 [1] : vector<2048x1024xf32> to vector<2048xf32>
    %convert_element_type3A_286 = arith.fptosi %reduce_min3A_285 : vector<2048xf32> to vector<2048xi32>
    %add3A_287 = arith.constant 6144 : i32
    %add3A_288 = vector.broadcast %add3A_287 : i32 to vector<2048xi32>
    %add3A_289 = arith.addi %convert_element_type3A_286, %add3A_288 : vector<2048xi32>
    %get3A_290 = arith.constant 0 : index
    %get3A_291 = arith.constant 224 : index
    %get3A_292 = vector.load %arg1[%get3A_290, %get3A_291] : memref<2048x256xf32, #tpu.memory_space<vmem>>, vector<2048x32xf32>
    %get3A_293 = arith.constant 7 : index
    %get3A_294 = arith.constant 0 : index
    %get3A_295 = arith.constant 0 : index
    %get3A_296 = vector.load %arg3[%get3A_293, %get3A_294, %get3A_295] : memref<8x32x1024xf32, #tpu.memory_space<vmem>>, vector<1x32x1024xf32>
    %get3A_297 = vector.shape_cast %get3A_296 : vector<1x32x1024xf32> to vector<32x1024xf32>
    %dot_general3A_298 = arith.constant dense<0.000000e+00> : vector<2048x1024xf32>
    %dot_general3A_299 = tpu.matmul %get3A_292, %get3A_297, %dot_general3A_298 {dimension_numbers = #tpu.dot_dimension_numbers<[1], [0], [0], [1], [0, 0, 1, 1], [], []>, transpose_lhs_hint = false} : vector<2048x32xf32>, vector<32x1024xf32>, vector<2048x1024xf32> -> vector<2048x1024xf32>
    %get3A_300 = arith.constant 0 : index
    %get3A_301 = arith.constant 7 : index
    %get3A_302 = vector.load %arg2[%get3A_300, %get3A_301] : memref<2048x8xf32, #tpu.memory_space<vmem>>, vector<2048x1xf32>
    %get3A_303 = arith.constant 7 : index
    %get3A_304 = arith.constant 0 : index
    %get3A_305 = vector.load %arg4[%get3A_303, %get3A_304] : memref<8x1024xf32, #tpu.memory_space<vmem>>, vector<1x1024xf32>
    %get3A_306 = vector.shape_cast %get3A_305 : vector<1x1024xf32> to vector<1024xf32>
    %broadcast_in_dim3A_307 = vector.shape_cast %get3A_306 : vector<1024xf32> to vector<1x1024xf32>
    %add3A_308 = vector.broadcast %get3A_302 : vector<2048x1xf32> to vector<2048x1024xf32>
    %add3A_309 = vector.broadcast %broadcast_in_dim3A_307 : vector<1x1024xf32> to vector<2048x1024xf32>
    %add3A_310 = arith.addf %add3A_308, %add3A_309 : vector<2048x1024xf32>
    %sub3A_311 = arith.subf %add3A_310, %dot_general3A_299 : vector<2048x1024xf32>
    %reduce_min3A_312 = arith.constant dense<0x7F800000> : vector<2048xf32>
    %reduce_min3A_313 = vector.multi_reduction <minimumf>, %sub3A_311, %reduce_min3A_312 [1] : vector<2048x1024xf32> to vector<2048xf32>
    %add3A_314 = arith.addf %add3A_271, %reduce_min3A_313 : vector<2048xf32>
    %broadcast_in_dim3A_315 = vector.shape_cast %reduce_min3A_313 : vector<2048xf32> to vector<2048x1xf32>
    %eq3A_316 = vector.broadcast %broadcast_in_dim3A_315 : vector<2048x1xf32> to vector<2048x1024xf32>
    %eq3A_317 = arith.cmpf oeq, %sub3A_311, %eq3A_316 : vector<2048x1024xf32>
    %get3A_318 = arith.constant 0 : index
    %get3A_319 = arith.constant 0 : index
    %get3A_320 = vector.load %arg5[%get3A_318, %get3A_319] : memref<1x1024xf32, #tpu.memory_space<vmem>>, vector<1x1024xf32>
    %get3A_321 = vector.shape_cast %get3A_320 : vector<1x1024xf32> to vector<1024xf32>
    %jit3A_322 = arith.constant 1.024000e+03 : f32
    %broadcast_in_dim3A_323 = vector.shape_cast %get3A_321 : vector<1024xf32> to vector<1x1024xf32>
    %broadcast_in_dim3A_324 = vector.broadcast %broadcast_in_dim3A_323 : vector<1x1024xf32> to vector<2048x1024xf32>
    %broadcast_in_dim3A_325 = vector.broadcast %jit3A_322 : f32 to vector<2048x1024xf32>
    %select_n3A_326 = arith.select %eq3A_317, %broadcast_in_dim3A_324, %broadcast_in_dim3A_325 : vector<2048x1024xi1>, vector<2048x1024xf32>
    %reduce_min3A_327 = arith.constant dense<0x7F800000> : vector<2048xf32>
    %reduce_min3A_328 = vector.multi_reduction <minimumf>, %select_n3A_326, %reduce_min3A_327 [1] : vector<2048x1024xf32> to vector<2048xf32>
    %convert_element_type3A_329 = arith.fptosi %reduce_min3A_328 : vector<2048xf32> to vector<2048xi32>
    %add3A_330 = arith.constant 7168 : i32
    %add3A_331 = vector.broadcast %add3A_330 : i32 to vector<2048xi32>
    %add3A_332 = arith.addi %convert_element_type3A_329, %add3A_331 : vector<2048xi32>
    %stack3A = vector.shape_cast %convert_element_type3A : vector<2048xi32> to vector<2048x1xi32>
    %stack3A_333 = vector.shape_cast %convert_element_type3A_71 : vector<2048xi32> to vector<2048x1xi32>
    %stack3A_334 = vector.shape_cast %convert_element_type3A_114 : vector<2048xi32> to vector<2048x1xi32>
    %stack3A_335 = vector.shape_cast %convert_element_type3A_157 : vector<2048xi32> to vector<2048x1xi32>
    %stack3A_336 = vector.shape_cast %convert_element_type3A_200 : vector<2048xi32> to vector<2048x1xi32>
    %stack3A_337 = vector.shape_cast %convert_element_type3A_243 : vector<2048xi32> to vector<2048x1xi32>
    %stack3A_338 = vector.shape_cast %convert_element_type3A_286 : vector<2048xi32> to vector<2048x1xi32>
    %stack3A_339 = vector.shape_cast %convert_element_type3A_329 : vector<2048xi32> to vector<2048x1xi32>
    %stack3A_340 = tpu.concatenate %stack3A, %stack3A_333, %stack3A_334, %stack3A_335, %stack3A_336, %stack3A_337, %stack3A_338, %stack3A_339 in 1 : vector<2048x1xi32>, vector<2048x1xi32>, vector<2048x1xi32>, vector<2048x1xi32>, vector<2048x1xi32>, vector<2048x1xi32>, vector<2048x1xi32>, vector<2048x1xi32> -> vector<2048x8xi32>
    %swap3A = arith.constant 0 : index
    %swap3A_341 = arith.constant 0 : index
    %swap3A_342 = vector.load %arg6[%swap3A, %swap3A_341] : memref<2048x8xi32, #tpu.memory_space<vmem>>, vector<2048x8xi32>
    tpu.vector_store %arg6[%swap3A, %swap3A_341], %stack3A_340 {strides = array<i32>} : memref<2048x8xi32, #tpu.memory_space<vmem>>, vector<2048x8xi32>,
    %stack3A_343 = vector.shape_cast %add3A_31 : vector<2048xi32> to vector<2048x1xi32>
    %stack3A_344 = vector.shape_cast %add3A_74 : vector<2048xi32> to vector<2048x1xi32>
    %stack3A_345 = vector.shape_cast %add3A_117 : vector<2048xi32> to vector<2048x1xi32>
    %stack3A_346 = vector.shape_cast %add3A_160 : vector<2048xi32> to vector<2048x1xi32>
    %stack3A_347 = vector.shape_cast %add3A_203 : vector<2048xi32> to vector<2048x1xi32>
    %stack3A_348 = vector.shape_cast %add3A_246 : vector<2048xi32> to vector<2048x1xi32>
    %stack3A_349 = vector.shape_cast %add3A_289 : vector<2048xi32> to vector<2048x1xi32>
    %stack3A_350 = vector.shape_cast %add3A_332 : vector<2048xi32> to vector<2048x1xi32>
    %stack3A_351 = tpu.concatenate %stack3A_343, %stack3A_344, %stack3A_345, %stack3A_346, %stack3A_347, %stack3A_348, %stack3A_349, %stack3A_350 in 1 : vector<2048x1xi32>, vector<2048x1xi32>, vector<2048x1xi32>, vector<2048x1xi32>, vector<2048x1xi32>, vector<2048x1xi32>, vector<2048x1xi32>, vector<2048x1xi32> -> vector<2048x8xi32>
    %swap3A_352 = arith.constant 0 : index
    %swap3A_353 = arith.constant 0 : index
    %swap3A_354 = vector.load %arg7[%swap3A_352, %swap3A_353] : memref<2048x8xi32, #tpu.memory_space<vmem>>, vector<2048x8xi32>
    tpu.vector_store %arg7[%swap3A_352, %swap3A_353], %stack3A_351 {strides = array<i32>} : memref<2048x8xi32, #tpu.memory_space<vmem>>, vector<2048x8xi32>,
    %reduce_sum3A = vector.shape_cast %add3A_314 : vector<2048xf32> to vector<1x2048xf32>
    %reduce_sum3A_355 = arith.constant dense<0.000000e+00> : vector<1xf32>
    %reduce_sum3A_356 = vector.multi_reduction <add>, %reduce_sum3A, %reduce_sum3A_355 [1] : vector<1x2048xf32> to vector<1xf32>
    %reduce_sum3A_357 = vector.shape_cast %reduce_sum3A_356 : vector<1xf32> to vector<1x1xf32>
    %reduce_sum3A_358 = vector.extract %reduce_sum3A_357[0, 0] : f32 from vector<1x1xf32>
    %eq3A_359 = arith.constant 0 : i32
    %eq3A_360 = arith.cmpi eq, %arg0, %eq3A_359 : i32
    %convert_element_type3A_361 = arith.extui %eq3A_360 : i1 to i32
    %cond3A = arith.constant 0 : i32
    %cond3A_362 = arith.cmpi ne, %convert_element_type3A_361, %cond3A : i32
    scf.if %cond3A_362 {
      %swap3A_370 = arith.constant 0.000000e+00 : f32
      %swap3A_371 = arith.constant 0 : index
      %swap3A_372 = arith.constant 0 : index
      %swap3A_373 = memref.load %arg8[%swap3A_371, %swap3A_372] : memref<1x1xf32, #tpu.memory_space<smem>>
      memref.store %swap3A_370, %arg8[%swap3A_371, %swap3A_372] : memref<1x1xf32, #tpu.memory_space<smem>>
    } else {
    }
    %get3A_363 = arith.constant 0 : index
    %get3A_364 = arith.constant 0 : index
    %get3A_365 = memref.load %arg8[%get3A_363, %get3A_364] : memref<1x1xf32, #tpu.memory_space<smem>>
    %add3A_366 = arith.addf %get3A_365, %reduce_sum3A_358 : f32
    %swap3A_367 = arith.constant 0 : index
    %swap3A_368 = arith.constant 0 : index
    %swap3A_369 = memref.load %arg8[%swap3A_367, %swap3A_368] : memref<1x1xf32, #tpu.memory_space<smem>>
    memref.store %add3A_366, %arg8[%swap3A_367, %swap3A_368] : memref<1x1xf32, #tpu.memory_space<smem>>
    return
  }
  func.func @transform_0(%arg0: i32) -> (i32, i32) {
    %c0_i32 = arith.constant 0 : i32
    %c0_i32_0 = arith.constant 0 : i32
    return %arg0, %c0_i32 : i32, i32
  }
  func.func @transform_1(%arg0: i32) -> (i32, i32) {
    %c0_i32 = arith.constant 0 : i32
    %c0_i32_0 = arith.constant 0 : i32
    return %arg0, %c0_i32 : i32, i32
  }
  func.func @transform_2(%arg0: i32) -> (i32, i32, i32) {
    %c0_i32 = arith.constant 0 : i32
    %c0_i32_0 = arith.constant 0 : i32
    %c0_i32_1 = arith.constant 0 : i32
    %c0_i32_2 = arith.constant 0 : i32
    return %c0_i32, %c0_i32_0, %c0_i32_1 : i32, i32, i32
  }
  func.func @transform_3(%arg0: i32) -> (i32, i32) {
    %c0_i32 = arith.constant 0 : i32
    %c0_i32_0 = arith.constant 0 : i32
    %c0_i32_1 = arith.constant 0 : i32
    return %c0_i32, %c0_i32_0 : i32, i32
  }
  func.func @transform_4(%arg0: i32) -> (i32, i32) {
    %c0_i32 = arith.constant 0 : i32
    %c0_i32_0 = arith.constant 0 : i32
    %c0_i32_1 = arith.constant 0 : i32
    return %c0_i32, %c0_i32_0 : i32, i32
  }
  func.func @transform_5(%arg0: i32) -> (i32, i32) {
    %c0_i32 = arith.constant 0 : i32
    %c0_i32_0 = arith.constant 0 : i32
    return %arg0, %c0_i32 : i32, i32
  }
  func.func @transform_6(%arg0: i32) -> (i32, i32) {
    %c0_i32 = arith.constant 0 : i32
    %c0_i32_0 = arith.constant 0 : i32
    return %arg0, %c0_i32 : i32, i32
  }
  func.func @transform_7(%arg0: i32) -> (i32, i32) {
    %c0_i32 = arith.constant 0 : i32
    %c0_i32_0 = arith.constant 0 : i32
    %c0_i32_1 = arith.constant 0 : i32
    return %c0_i32, %c0_i32_0 : i32, i32
  }
}

</mosaic_0001>

<sc_bundles>
// kernel: kernel.4.cloned.1.call-start
scs
__scs_entry_jumppad:
0x0: {  	(pc) =	sbr.rel $0x88, $3  }
0x1: {  	(tag) =	ssettag $0x0;
	lr =	simm.s32 $0x1  }
0x2: {  	[smem:$0x3F9F] =	sst lr;
	_ =	strace $0xD0000000  }
0x3: {  	_ = 	snop  }
0x4: {  	_ = 	snop  }
0x5: {  	_ = 	snop  }
0x6: {  	_ = 	snop  }
0x7: {  	_ = 	snop  }
__scs_overlays_trampoline_lowered:
0x8: {  	[smem:$0x3FAE] =	sst s0  }
0x9: {  	[smem:$0x3FAF] =	sst s1  }
0xa: {  	[smem:$0x3FB0] =	sst s2  }
0xb: {  	[smem:$0x3FB1] =	sst s3  }
0xc: {  	[smem:$0x3FB2] =	sst s4  }
0xd: {  	[smem:$0x3FB3] =	sst s5  }
0xe: {  	[smem:$0x3FB4] =	sst s6  }
0xf: {  	[smem:$0x3FB5] =	sst s7  }
0x10: {  	[smem:$0x3FB6] =	sst s8  }
0x11: {  	[smem:$0x3FB7] =	sst s9;
	s0 =	simm.s32 @!p0 $0x0  }
0x12: {  	s1 =	sld [smem:$0x3F9D];
	s0 =	simm.s32 @p0 $0x1  }
0x13: {  	[smem:$0x3FB8] =	sst s0;
	s0 =	simm.s32 @!p1 $0x0  }
0x14: {  	s2 =	sld [smem:$0x3F9C];
	s0 =	simm.s32 @p1 $0x1  }
0x15: {  	[smem:$0x3FB9] =	sst s0;
	s0 =	simm.s32 @!p2 $0x0  }
0x16: {  	s3 =	sld [smem:$0x3FDB];
	s0 =	simm.s32 @p2 $0x1  }
0x17: {  	s4 =	simm.s32 $0x1BF5;
	[smem:$0x3FBB] =	sst s0  }
0x18: {  	s0 =	sld [smem:$0x3F9E];
	_ =	swait.ge [sflag:s4], $0x0  }
0x19: {  	s7 =	sld [smem:$0x3F9F]  }
0x1a: {  	s8 =	sadd.s32 $0xFFFFE003, lr  }
0x1b: {  	s9 =	sadd.s32 $0xFFFFFEF7, lr;
	s5 =	simm.s32 $0xFFFFFFFF;
	p2 =	slt.u32 s8, $0xFFFFF086  }
0x1c: {  	p1 =	slt.u32 s9, $0xF7A;
	s5 =	simm.s32 @!p2 $0x0  }
0x1d: {  	s5 =	simm.s32 @p1 $0x1;
	p0 =	seq.s32 s7, s2  }
0x1e: {  	s7 =	smul.u32 @!p0 $0xF7A, s2;
	p2 =	seq.s32 @!p0 s5, $0x0  }
0x1f: {  	s9 =	smul.u32 $0xF7A, s1;
	s8 =	simm.s32 @!p0 $0x1BF5;
	p2 =	por !p2, p0  }
0x20: {  	[sflag:s8] =	ssyncset.s32 @!p0 $0xFFFFF086;
	s6 =	sadd.s32 @!p0 s3, s7;
	s7 =	simm.s32 @!p0 $0x108  }
0x21: {  	s3 =	sadd.s32 s3, s9;
	s6 =	sadd.s32 @!p0 $0x88, s6;
	s7 =	simm.s32 @p2 $0x1082  }
0x22: {  	[simem:s7], [sflag:s8] =	dma.local @!p0 [hbm:s6], $0xF7A  }
0x23: {  	s9 =	sor.u32 $0xD0000000, s2;
	s6 =	simm.s32 $0x108;
	_ =	swait.ge @!p0 [sflag:s8], $0x0  }
0x24: {  	s3 =	sadd.s32 $0x88, s3;
	s6 =	simm.s32 @!p1 $0x1082;
	[sflag:s4] =	ssyncset.s32 $0xFFFFF086  }
0x25: {  	[simem:s6], [sflag:s4] =	dma.local [hbm:s3], $0xF7A  }
0x26: {  	[smem:$0x3F9F] =	sst s1;
	(tag) =	ssettag s2;
	_ =	strace s9  }
0x27: {  	s1 =	sld [smem:$0x3FAF]  }
0x28: {  	s2 =	sld [smem:$0x3FB0]  }
0x29: {  	s4 =	sld [smem:$0x3FB2]  }
0x2a: {  	p0 =	seq.s32 s5, $0x0;
	s5 =	sld [smem:$0x3FB3]  }
0x2b: {  	s6 =	sld [smem:$0x3FB4]  }
0x2c: {  	s7 =	sld [smem:$0x3FB5]  }
0x2d: {  	s3 =	simm.s32 $0x108;
	s8 =	sld [smem:$0x3FB6]  }
0x2e: {  	s3 =	simm.s32 @!p0 $0x1082;
	s9 =	sld [smem:$0x3FB7]  }
0x2f: {  	lr =	sadd.s32 s0, s3;
	s0 =	sld [smem:$0x3FAE]  }
0x30: {  	s3 =	sld [smem:$0x3FB1]  }
0x31: {  	[smem:$0x3FBA] =	sst s10  }
0x32: {  	s10 =	sld [smem:$0x3FB8];
	_ =	sdelay $0x3  }
0x33: {  	p0 =	seq.s32 s10, $0x1;
	s10 =	sld [smem:$0x3FBA];
	_ =	sdelay $0x3  }
0x34: {  	[smem:$0x3FBA] =	sst s10  }
0x35: {  	s10 =	sld [smem:$0x3FB9];
	_ =	sdelay $0x3  }
0x36: {  	p1 =	seq.s32 s10, $0x1;
	s10 =	sld [smem:$0x3FBA];
	_ =	sdelay $0x3  }
0x37: {  	[smem:$0x3FBA] =	sst s10  }
0x38: {  	s10 =	sld [smem:$0x3FBB]  }
0x39: {  	_ = 	snop;
	(pc) =	sbr.ind lr, $3  }
0x3a: {  	_ = 	snop  }
0x3b: {  	_ = 	snop  }
0x3c: {  	p2 =	seq.s32 s10, $0x1;
	s10 =	sld [smem:$0x3FBA]  }
0x3d: {  	_ =	shalt  }
0x3e: {  	_ =	shalt  }
0x3f: {  	_ =	shalt  }
0x40: {  	_ =	shalt  }
0x41: {  	_ =	shalt  }
0x42: {  	_ =	shalt  }
0x43: {  	_ =	shalt  }
0x44: {  	_ =	shalt  }
0x45: {  	_ =	shalt  }
0x46: {  	_ =	shalt  }
0x47: {  	_ =	shalt  }
0x48: {  	_ =	shalt  }
0x49: {  	_ =	shalt  }
0x4a: {  	_ =	shalt  }
0x4b: {  	_ =	shalt  }
0x4c: {  	_ =	shalt  }
0x4d: {  	_ =	shalt  }
0x4e: {  	_ =	shalt  }
0x4f: {  	_ =	shalt  }
0x50: {  	_ =	shalt  }
0x51: {  	_ =	shalt  }
0x52: {  	_ =	shalt  }
0x53: {  	_ =	shalt  }
0x54: {  	_ =	shalt  }
0x55: {  	_ =	shalt  }
0x56: {  	_ =	shalt  }
0x57: {  	_ =	shalt  }
0x58: {  	_ =	shalt  }
0x59: {  	_ =	shalt  }
0x5a: {  	_ =	shalt  }
0x5b: {  	_ =	shalt  }
0x5c: {  	_ =	shalt  }
0x5d: {  	_ =	shalt  }
0x5e: {  	_ =	shalt  }
0x5f: {  	_ =	shalt  }
0x60: {  	_ =	shalt  }
0x61: {  	_ =	shalt  }
0x62: {  	_ =	shalt  }
0x63: {  	_ =	shalt  }
0x64: {  	_ =	shalt  }
0x65: {  	_ =	shalt  }
0x66: {  	_ =	shalt  }
0x67: {  	_ =	shalt  }
0x68: {  	_ =	shalt  }
0x69: {  	_ =	shalt  }
0x6a: {  	_ =	shalt  }
0x6b: {  	_ =	shalt  }
0x6c: {  	_ =	shalt  }
0x6d: {  	_ =	shalt  }
0x6e: {  	_ =	shalt  }
0x6f: {  	_ =	shalt  }
0x70: {  	_ =	shalt  }
0x71: {  	_ =	shalt  }
0x72: {  	_ =	shalt  }
0x73: {  	_ =	shalt  }
0x74: {  	_ =	shalt  }
0x75: {  	_ =	shalt  }
0x76: {  	_ =	shalt  }
0x77: {  	_ =	shalt  }
0x78: {  	_ =	shalt  }
0x79: {  	_ =	shalt  }
0x7a: {  	_ =	shalt  }
0x7b: {  	_ =	shalt  }
0x7c: {  	_ =	shalt  }
0x7d: {  	_ =	shalt  }
0x7e: {  	_ =	shalt  }
0x7f: {  	_ =	shalt  }
0x80: {  	_ =	shalt  }
0x81: {  	_ =	shalt  }
0x82: {  	_ =	shalt  }
0x83: {  	_ =	shalt  }
0x84: {  	_ =	shalt  }
0x85: {  	_ =	shalt  }
0x86: {  	_ =	shalt  }
0x87: {  	_ =	shalt  }
.Lfunc_end0:
.L_simem_size_0:
called_computation_lowered:
.L_overlay_start_0:
0x88: {  	s2 =	sld [smem:$0x3FD9]  }
0x89: {  	s3 =	sld [smem:$0x3FFE];
	_ =	sdelay $0x1  }
0x8a: {  	s1 =	srdreg.scid  }
0x8b: {  	s0 =	sand.u32 $0x1, s1  }
0x8c: {  	s14 =	sshll.u32 s0, $0xA;
	s2 =	sadd.s32 s3, s2  }
0x8d: {  	s2 =	sadd.s32 s2, s14  }
0x8e: {  	[smem:$0x3FC6] =	sst s2  }
0x8f: {  	_ = 	snop  }
0x90: {  	s2 =	sld [smem:$0x3FD0];
	_ =	sdelay $0x2  }
0x91: {  	s15 =	simm.s32 $0xA;
	s4 =	simm.s32 $0x10  }
0x92: {  	[smem:s4], [sflag:s15] =	dma.local [hbm:s2], $0x1  }
0x93: {  	_ =	swait.eq [sflag:s15], $0x1  }
0x94: {  	[sflag:s15] =	ssyncset.done $0x0  }
0x95: {  	[sflag:s15] =	ssyncadd.s32 $0xFFFFFFFF  }
0x96: {  	s16 =	sld [smem:$0x10];
	(tm) =	ssettm $0x1  }
0x97: {  	s17 =	sld [smem:$0x3FFB];
	_ =	sdelay $0x3  }
0x98: {  	_ =	strace s17  }
0x99: {  	s3 =	sld [smem:$0x3FFC];
	_ =	sdelay $0x3  }
0x9a: {  	_ =	strace s3  }
0x9b: {  	s3 =	sld [smem:$0x3FFD];
	_ =	sdelay $0x3  }
0x9c: {  	_ =	strace s3  }
0x9d: {  	_ =	strace $0x8FFFFFFF  }
0x9e: {  	s18 =	sld [smem:$0x3FDB];
	_ =	sdelay $0x1  }
0x9f: {  	s19 =	simm.s32 $_scs_section_size  }
0xa0: {  	s5 =	simm.s32 $_size__tile_overlayer_lowered;
	s6 =	simm.s32 $_tile_overlayer_lowered  }
0xa1: {  	s22 =	simm.s32 $0x1BFF;
	s21 =	sshll.u32 s6, $0x1;
	s3 =	sadd.s32 s19, s18  }
0xa2: {  	s7 =	simm.s32 $0x0;
	s20 =	sshll.u32 s5, $0x1;
	s5 =	sadd.s32 s21, s3  }
0xa3: {  	[timem:s7], [sflag:s22] =	dma.local [hbm:s5], s20  }
0xa4: {  	_ =	swait.ge [sflag:s22], s20  }
0xa5: {  	s4 =	ssub.s32 $0x0, s20;
	[sflag:s22] =	ssyncset.done $0x0  }
0xa6: {  	[sflag:s22] =	ssyncadd.s32 s4;
	_ =	sdelay $0x1  }
0xa7: {  	s23 =	simm.s32 $0x1B8B  }
0xa8: {  	_ =	swait.ge [sflag:s23], $0x1  }
0xa9: {  	[sflag:s23] =	ssyncset.done $0x0  }
0xaa: {  	s25 =	simm.s32 $0x1B8E;
	s24 =	sld [smem:$0x3FFE];
	[sflag:s23] =	ssyncadd.s32 $0xFFFFFFFF  }
0xab: {  	s26 =	simm.s32 $execute0_lowered;
	[smem:$0x3FD2] =	sst s25  }
0xac: {  	s5 =	sshll.u32 s26, $0x1;
	_ =	strace $0x80000046;
	[dreg:$0x1] =	wrdreg $0xFFFFFFFF  }
0xad: {  	s28 =	simm.s32 $_size_execute0_lowered;
	s3 =	sadd.s32 s3, s5;
	[dreg:$0x0] =	wrdreg $0x0  }
0xae: {  	s5 =	sshll.u32 s28, $0x1;
	[dreg:$0x2] =	wrdreg s3  }
0xaf: {  	[dreg:$0x3] =	wrdreg s5  }
0xb0: {  	[dreg:$0x4] =	wrdreg $0xC0  }
0xb1: {  	_ =	task [dreg:s7], $0x5FFFF  }
0xb2: {  	[dreg:$0x1] =	wrdreg $0xFFFFFFFF  }
0xb3: {  	[dreg:$0x0] =	wrdreg $0x60  }
0xb4: {  	[dreg:$0x2] =	wrdreg s24  }
0xb5: {  	[dreg:$0x3] =	wrdreg s16  }
0xb6: {  	[dreg:$0x4] =	wrdreg $0x9  }
0xb7: {  	_ =	task.clear_ibuf [dreg:s7], $0x5FFFF;
	_ =	strace $0x90000046  }
0xb8: {  	s29 =	simm.s32 $0x9;
	_ =	strace $0x80000048  }
0xb9: {  	_ =	swait.ge [sflag:s29], $0x1  }
0xba: {  	[sflag:s29] =	ssyncadd.s32 $0xFFFFFFFF  }
0xbb: {  	_ =	strace $0x90000048  }
0xbc: {  	_ =	sfence  }
0xbd: {  	s30 =	sld [smem:$0x0];
	_ =	sdelay $0x2  }
0xbe: {  	s31 =	sshll.u32 s1, $0xD;
	s1 =	sshrl.u32 s1, $0x2  }
0xbf: {  	s3 =	sand.u32 $0x4000, s31;
	s1 =	sadd.s32 s1, s30  }
0xc0: {  	s0 =	sor.u32 s3, s0;
	s1 =	sshll.u32 s1, $0x11  }
0xc1: {  	s0 =	sor.u32 s1, s0  }
0xc2: {  	s0 =	sadd.s32 $0x8F2B, s0  }
0xc3: {  	[sflag:s0] =	ssyncadd.remote.s32 $0x1  }
0xc4: {  	_ =	sfence.sel $0xFFFF  }
0xc5: {  	[dreg:$0x0] =	wrdreg $0xFFFFFFFF;
	(pc) =	sbr.abs _section_cstart, $3  }
0xc6: {  	[dreg:$0x1] =	wrdreg $0xFFFFFFFF  }
0xc7: {  	_ =	task.clear_ibuf [dreg:s7], $0x2FFFF;
	_ =	strace $0x9FFFFFFF  }
0xc8: {  	(tm) =	ssettm $0x7FFFFFFF  }
0xc9: {  	_ =	shalt  }
tec
execute0_lowered:
.L_overlay_start_1:
0x0: {  	(tag) =	ssettag $0x1  }
0x1: {  	s1 =	srdreg.scid  }
0x2: {  	s2 =	rddreg [dreg:$0x0];
	s0 =	stileid.u32;
	s14 =	sand.u32 $0x1, s1  }
0x3: {  	s13 =	rddreg [dreg:$0x1];
	s4 =	sshll.u32 s0, $0xD;
	s5 =	sshll.u32 s14, $0xC  }
0x4: {  	s3 =	simm.s32 $0x0;
	s1 =	rddreg [dreg:$0x2];
	s15 =	sor.u32 s5, s4  }
0x5: {  	[smem:$0x7FF] =	sst s3;
	s4 =	sshrl.u32 s15, $0x3  }
0x6: {  	_ =	strace $0x80000047;
	s5 =	sadd.s32 s13, s4;
	s4 =	simm.s32 $0x2  }
0x7: {  	[tilespmem:s3], [sflag:$0x2] =	stream.linear.gather [hbm4b:s5+s3], $0x400, $0x38;
	[tilespmem:$0x8400] =	vst v63  }
0x8: {  	_ =	swait.ge [sflag:s4], $0x400  }
0x9: {  	[sflag:s4] =	ssyncset.done $0x0  }
0xa: {  	s6 =	simm.s32 $0x400;
	s7 =	simm.s32 $0x1;
	[sflag:s4] =	ssyncadd.s32 $0xFFFFFC00  }
0xb: {  	[tilespmem:s6], [sflag:$0x1] =	stream.indirect.gather [hbm4b:s2+s6], $0x20, s3, s6, $0xb8;
	[tilespmem:$0x8400] =	vst v63  }
0xc: {  	_ =	swait.ge [sflag:s7], $0x8000  }
0xd: {  	s16 =	sadd.s32 $0x8000, s2;
	s8 =	sshll.u32 s15, $0x2;
	[sflag:s7] =	ssyncset.done $0x0  }
0xe: {  	s8 =	sadd.s32 s16, s8;
	[sflag:s7] =	ssyncadd.s32 $0xFFFF8000  }
0xf: {  	[hbm4b:s8+s3] =	stream.linear.scatter [tilespmem:s6], [sflag:$0x2], $0x8000, $0x38;
	[tilespmem:$0x8400] =	vst v63  }
0x10: {  	s10 =	sor.u32 $0x400, s15;
	_ =	swait.ge [sflag:s4], $0x8000  }
0x11: {  	s9 =	sshrl.u32 s10, $0x3;
	[sflag:s4] =	ssyncset.done $0x0  }
0x12: {  	s9 =	sadd.s32 s13, s9;
	[sflag:s4] =	ssyncadd.s32 $0xFFFF8000  }
0x13: {  	[tilespmem:s3], [sflag:$0x2] =	stream.linear.gather [hbm4b:s9+s3], $0x400, $0x38;
	[tilespmem:$0x8400] =	vst v63  }
0x14: {  	_ =	swait.ge [sflag:s4], $0x400  }
0x15: {  	[sflag:s4] =	ssyncset.done $0x0  }
0x16: {  	[sflag:s4] =	ssyncadd.s32 $0xFFFFFC00  }
0x17: {  	[tilespmem:s6], [sflag:$0x1] =	stream.indirect.gather [hbm4b:s2+s6], $0x20, s3, s6, $0xb8;
	[tilespmem:$0x8400] =	vst v63  }
0x18: {  	_ =	swait.ge [sflag:s7], $0x8000  }
0x19: {  	s10 =	sshll.u32 s10, $0x2;
	[sflag:s7] =	ssyncset.done $0x0  }
0x1a: {  	s10 =	sadd.s32 s16, s10;
	[sflag:s7] =	ssyncadd.s32 $0xFFFF8000  }
0x1b: {  	[hbm4b:s10+s3] =	stream.linear.scatter [tilespmem:s6], [sflag:$0x2], $0x8000, $0x38;
	[tilespmem:$0x8400] =	vst v63  }
0x1c: {  	s12 =	sor.u32 $0x800, s15;
	_ =	swait.ge [sflag:s4], $0x8000  }
0x1d: {  	s11 =	sshrl.u32 s12, $0x3;
	[sflag:s4] =	ssyncset.done $0x0  }
0x1e: {  	s11 =	sadd.s32 s13, s11;
	[sflag:s4] =	ssyncadd.s32 $0xFFFF8000  }
0x1f: {  	[tilespmem:s3], [sflag:$0x2] =	stream.linear.gather [hbm4b:s11+s3], $0x400, $0x38;
	[tilespmem:$0x8400] =	vst v63  }
0x20: {  	_ =	swait.ge [sflag:s4], $0x400  }
0x21: {  	[sflag:s4] =	ssyncset.done $0x0  }
0x22: {  	[sflag:s4] =	ssyncadd.s32 $0xFFFFFC00  }
0x23: {  	[tilespmem:s6], [sflag:$0x1] =	stream.indirect.gather [hbm4b:s2+s6], $0x20, s3, s6, $0xb8;
	[tilespmem:$0x8400] =	vst v63  }
0x24: {  	_ =	swait.ge [sflag:s7], $0x8000  }
0x25: {  	s12 =	sshll.u32 s12, $0x2;
	[sflag:s7] =	ssyncset.done $0x0  }
0x26: {  	s12 =	sadd.s32 s16, s12;
	[sflag:s7] =	ssyncadd.s32 $0xFFFF8000  }
0x27: {  	[hbm4b:s12+s3] =	stream.linear.scatter [tilespmem:s6], [sflag:$0x2], $0x8000, $0x38;
	[tilespmem:$0x8400] =	vst v63  }
0x28: {  	s15 =	sor.u32 $0xC00, s15;
	_ =	swait.ge [sflag:s4], $0x8000  }
0x29: {  	s17 =	sshrl.u32 s15, $0x3;
	[sflag:s4] =	ssyncset.done $0x0  }
0x2a: {  	s14 =	ssub.s32 $0x2, s14;
	s13 =	sadd.s32 s13, s17;
	[sflag:s4] =	ssyncadd.s32 $0xFFFF8000  }
0x2b: {  	[tilespmem:s3], [sflag:$0x2] =	stream.linear.gather [hbm4b:s13+s3], $0x400, $0x38;
	[tilespmem:$0x8400] =	vst v63  }
0x2c: {  	s29 =	sshrl.u32 s14, $0x1;
	_ =	swait.ge [sflag:s4], $0x400  }
0x2d: {  	s17 =	ssub.s32 s14, s29;
	[sflag:s4] =	ssyncset.done $0x0  }
0x2e: {  	s31 =	smax.u32 s17, $0x1;
	[sflag:s4] =	ssyncadd.s32 $0xFFFFFC00  }
0x2f: {  	[tilespmem:s6], [sflag:$0x1] =	stream.indirect.gather [hbm4b:s2+s6], $0x20, s3, s6, $0xb8;
	[tilespmem:$0x8400] =	vst v63  }
0x30: {  	p0 =	sne.s32 s31, $0x1;
	_ =	swait.ge [sflag:s7], $0x8000  }
.Ltmp0:
0x31: {  	s30 =	sshll.u32 s15, $0x2;
	[sflag:s7] =	ssyncset.done $0x0;
	(pc) =	sbr.rel @!p0 .LBB2_2-.Ltmp0, $4  }
0x32: {  	s14 =	sadd.s32 s16, s30;
	[sflag:s7] =	ssyncadd.s32 $0xFFFF8000  }
0x33: {  	[hbm4b:s14+s3] =	stream.linear.scatter [tilespmem:s6], [sflag:$0x2], $0x8000, $0x38;
	[tilespmem:$0x8400] =	vst v63  }
0x34: {  	_ =	swait.ge [sflag:s4], $0x8000  }
0x35: {  	s15 =	sadd.s32 $0xFFFFFFFF, s31;
	[sflag:s4] =	ssyncset.done $0x0  }
.LBB2_1:
0x36: {  	p0 =	sne.s32 s15, $0x1;
	s15 =	sadd.s32 $0xFFFFFFFF, s15;
	[sflag:s4] =	ssyncadd.s32 $0xFFFF8000  }
0x37: {  	[tilespmem:s3], [sflag:$0x2] =	stream.linear.gather [hbm4b:s5+s3], $0x400, $0x38;
	[tilespmem:$0x8400] =	vst v63  }
0x38: {  	_ =	swait.ge [sflag:s4], $0x400  }
0x39: {  	[sflag:s4] =	ssyncset.done $0x0  }
0x3a: {  	[sflag:s4] =	ssyncadd.s32 $0xFFFFFC00  }
0x3b: {  	[tilespmem:s6], [sflag:$0x1] =	stream.indirect.gather [hbm4b:s2+s6], $0x20, s3, s6, $0xb8;
	[tilespmem:$0x8400] =	vst v63  }
0x3c: {  	_ =	swait.ge [sflag:s7], $0x8000  }
0x3d: {  	[sflag:s7] =	ssyncset.done $0x0  }
0x3e: {  	[sflag:s7] =	ssyncadd.s32 $0xFFFF8000  }
0x3f: {  	[hbm4b:s8+s3] =	stream.linear.scatter [tilespmem:s6], [sflag:$0x2], $0x8000, $0x38;
	[tilespmem:$0x8400] =	vst v63  }
0x40: {  	_ =	swait.ge [sflag:s4], $0x8000  }
0x41: {  	[sflag:s4] =	ssyncset.done $0x0  }
0x42: {  	[sflag:s4] =	ssyncadd.s32 $0xFFFF8000  }
0x43: {  	[tilespmem:s3], [sflag:$0x2] =	stream.linear.gather [hbm4b:s9+s3], $0x400, $0x38;
	[tilespmem:$0x8400] =	vst v63  }
0x44: {  	_ =	swait.ge [sflag:s4], $0x400  }
0x45: {  	[sflag:s4] =	ssyncset.done $0x0  }
0x46: {  	[sflag:s4] =	ssyncadd.s32 $0xFFFFFC00  }
0x47: {  	[tilespmem:s6], [sflag:$0x1] =	stream.indirect.gather [hbm4b:s2+s6], $0x20, s3, s6, $0xb8;
	[tilespmem:$0x8400] =	vst v63  }
0x48: {  	_ =	swait.ge [sflag:s7], $0x8000  }
0x49: {  	[sflag:s7] =	ssyncset.done $0x0  }
0x4a: {  	[sflag:s7] =	ssyncadd.s32 $0xFFFF8000  }
0x4b: {  	[hbm4b:s10+s3] =	stream.linear.scatter [tilespmem:s6], [sflag:$0x2], $0x8000, $0x38;
	[tilespmem:$0x8400] =	vst v63  }
0x4c: {  	_ =	swait.ge [sflag:s4], $0x8000  }
0x4d: {  	[sflag:s4] =	ssyncset.done $0x0  }
0x4e: {  	[sflag:s4] =	ssyncadd.s32 $0xFFFF8000  }
0x4f: {  	[tilespmem:s3], [sflag:$0x2] =	stream.linear.gather [hbm4b:s11+s3], $0x400, $0x38;
	[tilespmem:$0x8400] =	vst v63  }
0x50: {  	_ =	swait.ge [sflag:s4], $0x400  }
0x51: {  	[sflag:s4] =	ssyncset.done $0x0  }
0x52: {  	[sflag:s4] =	ssyncadd.s32 $0xFFFFFC00  }
0x53: {  	[tilespmem:s6], [sflag:$0x1] =	stream.indirect.gather [hbm4b:s2+s6], $0x20, s3, s6, $0xb8;
	[tilespmem:$0x8400] =	vst v63  }
0x54: {  	_ =	swait.ge [sflag:s7], $0x8000  }
0x55: {  	[sflag:s7] =	ssyncset.done $0x0  }
0x56: {  	[sflag:s7] =	ssyncadd.s32 $0xFFFF8000  }
0x57: {  	[hbm4b:s12+s3] =	stream.linear.scatter [tilespmem:s6], [sflag:$0x2], $0x8000, $0x38;
	[tilespmem:$0x8400] =	vst v63  }
0x58: {  	_ =	swait.ge [sflag:s4], $0x8000  }
0x59: {  	[sflag:s4] =	ssyncset.done $0x0  }
0x5a: {  	[sflag:s4] =	ssyncadd.s32 $0xFFFF8000  }
0x5b: {  	[tilespmem:s3], [sflag:$0x2] =	stream.linear.gather [hbm4b:s13+s3], $0x400, $0x38;
	[tilespmem:$0x8400] =	vst v63  }
0x5c: {  	_ =	swait.ge [sflag:s4], $0x400  }
0x5d: {  	[sflag:s4] =	ssyncset.done $0x0  }
0x5e: {  	[sflag:s4] =	ssyncadd.s32 $0xFFFFFC00  }
0x5f: {  	[tilespmem:s6], [sflag:$0x1] =	stream.indirect.gather [hbm4b:s2+s6], $0x20, s3, s6, $0xb8;
	[tilespmem:$0x8400] =	vst v63  }
0x60: {  	_ =	swait.ge [sflag:s7], $0x8000  }
.Ltmp1:
0x61: {  	[sflag:s7] =	ssyncset.done $0x0;
	(pc) =	sbr.rel @p0 .LBB2_1-.Ltmp1, $4  }
0x62: {  	[sflag:s7] =	ssyncadd.s32 $0xFFFF8000  }
0x63: {  	[hbm4b:s14+s3] =	stream.linear.scatter [tilespmem:s6], [sflag:$0x2], $0x8000, $0x38;
	[tilespmem:$0x8400] =	vst v63  }
0x64: {  	_ =	swait.ge [sflag:s4], $0x8000  }
0x65: {  	[sflag:s4] =	ssyncset.done $0x0  }
.LBB2_2:
0x66: {  	[sflag:s4] =	ssyncadd.s32 $0xFFFF8000  }
0x67: {  	_ =	sfence.sel $0x180000  }
0x68: {  	[bflag:$0x0] =	sbarrier.arrive $0xFFFF  }
0x69: {  	p0 =	sne.s32 s0, $0x0;
	_ =	strace $0x90000047  }
0x6a: {  	s0 =	sadd.s32 @!p0 $0x100000, s1;
	[bflag:$0x2] =	sbarrier.arrive $0xFFFF  }
0x6b: {  	[sflag:s0] =	ssyncadd.tile.s32 @!p0 $0x1;
	_ =	shalt  }
.Lfunc_end2:
_tile_overlayer_lowered:
.L_overlay_start_2:
0x6c: {  	(tag) =	ssettag $0x2  }
0x6d: {  	s0 =	rddreg [dreg:$0x0];
	s2 =	stileid.u32  }
0x6e: {  	s1 =	rddreg [dreg:$0x1];
	p0 =	sne.s32 s2, $0x0  }
0x6f: {  	s3 =	rddreg [dreg:$0x2];
	[bflag:$0x3] =	sbarrier.arrive $0xFFFF;
	s2 =	simm.s32 @!p0 $0x1C02  }
0x70: {  	[timem:s3], [sflag:s2] =	dma.local @!p0 [hbm:s0], s1  }
0x71: {  	s0 =	simm.s32 @!p0 $0x2  }
0x72: {  	_ =	swait.ge @!p0 [sflag:s0], s1  }
0x73: {  	s1 =	ssub.s32 @!p0 $0x0, s1;
	[sflag:s0] =	ssyncset.done @!p0 $0x0  }
0x74: {  	[sflag:s0] =	ssyncadd.s32 @!p0 s1  }
0x75: {  	[bflag:$0x3] =	sbarrier.arrive $0xFFFF  }
0x76: {  	_ =	shalt  }

</sc_bundles>
